<compile_context>
chip_gen: v7x
topology: tpu7x:2x2x1
jax: 0.10.2.dev20260603
libtpu: 0.0.44.dev20260713+nightly
codegen_flags: <defaults>
</compile_context>

<pallas_src>
import functools

import jax
import jax.numpy as jnp
from jax import lax
from jax.experimental import pallas as pl
from jax.experimental.pallas import tpu as pltpu
from jax.experimental.pallas import tpu_sc as plsc

N = 10000
F = 128
H = 256
CLS = 40
E = 320000
CH = 128
NT = 16
NC = 2
NPAD = 10112
RPT = NPAD // NT
ECH = 2560
EPAD = ECH * CH
NB = 16
NBF = 40

_MESH = plsc.VectorSubcoreMesh(
    core_axis_name="c", subcore_axis_name="s", num_cores=NC, num_subcores=NT)


def _edge_pass(tab, src_hbm, dst_hbm, acc, sidx, didx, rows, gsem, ssem,
               base, nblk):
    def block(bb, carry):
        off = base + bb * NBF
        pltpu.sync_copy(src_hbm.at[pl.ds(off, NBF)], sidx)
        pltpu.sync_copy(dst_hbm.at[pl.ds(off, NBF)], didx)
        pltpu.async_copy(tab.at[sidx.at[0]], rows.at[0], gsem)

        def ibody(j, carry2):
            b = lax.rem(j, 2)
            pltpu.make_async_copy(tab.at[sidx.at[j]], rows.at[b], gsem).wait()
            pltpu.async_copy(rows.at[b], acc.at[didx.at[j]], ssem, add=True)

            @pl.when(j >= 1)
            def _():
                pltpu.make_async_copy(rows.at[1 - b], acc.at[didx.at[j - 1]],
                                      ssem).wait()

            @pl.when(j + 1 < NBF)
            def _():
                pltpu.async_copy(tab.at[sidx.at[j + 1]], rows.at[1 - b], gsem)

            return carry2

        lax.fori_loop(0, NBF, ibody, None)
        pltpu.make_async_copy(rows.at[(NBF - 1) % 2],
                              acc.at[didx.at[NBF - 1]], ssem).wait()
        return carry

    lax.fori_loop(0, nblk, block, None)


RPTL = N - (NT - 1) * RPT


def _writeout(acc, out, c, s):
    r0 = s * RPT
    last0 = jnp.logical_and(c == 0, s == NT - 1)

    @pl.when(last0)
    def _():
        pltpu.sync_copy(acc.at[pl.ds((NT - 1) * RPT, RPTL)],
                        out.at[pl.ds((NT - 1) * RPT, RPTL)])

    @pl.when(jnp.logical_not(last0))
    def _():
        pltpu.sync_copy(acc.at[pl.ds(r0, RPT)], out.at[pl.ds(c * N + r0, RPT)])



@functools.partial(
    pl.kernel,
    out_type=jax.ShapeDtypeStruct((N + NPAD, 16), jnp.float32),
    mesh=_MESH,
    scratch_types=[
        pltpu.VMEM((NB, CH), jnp.int32),
        pltpu.VMEM((CH, 16), jnp.float32),
        pltpu.VMEM_SHARED((NPAD, 16), jnp.float32),
    ],
    compiler_params=pltpu.CompilerParams(use_tc_tiling_on_sc=False),
)
def _sc_degree(dst_hbm, ones_hbm, zeros_hbm, out, didx, ones_v, acc):
    c = lax.axis_index("c")
    s = lax.axis_index("s")
    wid = c * NT + s
    r0 = s * RPT
    nch = ECH // (NC * NT)
    pltpu.sync_copy(zeros_hbm.at[pl.ds(r0, RPT)], acc.at[pl.ds(r0, RPT)])
    pltpu.sync_copy(ones_hbm, ones_v)
    plsc.subcore_barrier()

    def outer(b, carry):
        pltpu.sync_copy(dst_hbm.at[pl.ds(wid * nch + b * NB, NB)], didx)

        def body(j, carry2):
            pltpu.sync_copy(ones_v, acc.at[didx.at[j]], add=True)
            return carry2

        lax.fori_loop(0, NB, body, None)
        return carry

    lax.fori_loop(0, nch // NB, outer, None)
    plsc.subcore_barrier()
    _writeout(acc, out, c, s)


@functools.partial(
    pl.kernel,
    out_type=jax.ShapeDtypeStruct((N + NPAD, F), jnp.float32),
    mesh=_MESH,
    scratch_types=[
        pltpu.VMEM((NBF, CH), jnp.int32),
        pltpu.VMEM((NBF, CH), jnp.int32),
        pltpu.VMEM((2, CH, F), jnp.float32),
        pltpu.VMEM_SHARED((NPAD, F), jnp.float32),
        pltpu.SemaphoreType.DMA,
        pltpu.SemaphoreType.DMA,
    ],
)
def _sc_edge_sum_split(tab_hbm, src_hbm, dst_hbm, zeros_hbm, out,
                       sidx, didx, rows, acc, gsem, ssem):
    c = lax.axis_index("c")
    s = lax.axis_index("s")
    wid = c * NT + s
    r0 = s * RPT
    nch = ECH // (NC * NT)
    pltpu.sync_copy(zeros_hbm.at[pl.ds(r0, RPT)], acc.at[pl.ds(r0, RPT)])
    plsc.subcore_barrier()
    _edge_pass(tab_hbm, src_hbm, dst_hbm, acc, sidx, didx, rows, gsem, ssem,
               wid * nch, nch // NBF)
    plsc.subcore_barrier()
    _writeout(acc, out, c, s)


@functools.partial(
    pl.kernel,
    out_type=jax.ShapeDtypeStruct((N + NPAD, F), jnp.float32),
    mesh=_MESH,
    scratch_types=[
        pltpu.VMEM((NBF, CH), jnp.int32),
        pltpu.VMEM((NBF, CH), jnp.int32),
        pltpu.VMEM((2, CH, F), jnp.float32),
        pltpu.VMEM_SHARED((NPAD, F), jnp.float32),
        pltpu.SemaphoreType.DMA,
        pltpu.SemaphoreType.DMA,
    ],
)
def _sc_edge_sum_sharded(tabs_hbm, srcs_hbm, dsts_hbm, zeros_hbm, out,
                         sidx, didx, rows, acc, gsem, ssem):
    c = lax.axis_index("c")
    s = lax.axis_index("s")
    r0 = s * RPT
    nch = ECH // NT
    pltpu.sync_copy(zeros_hbm.at[pl.ds(r0, RPT)], acc.at[pl.ds(r0, RPT)])
    plsc.subcore_barrier()
    _edge_pass(tabs_hbm, srcs_hbm, dsts_hbm, acc, sidx, didx, rows, gsem, ssem,
               c * ECH + s * nch, nch // NBF)
    plsc.subcore_barrier()
    _writeout(acc, out, c, s)



BN = 2000
GB = N // BN


def _blk(ix):
    return pl.BlockSpec((BN, 16), lambda i, _ix=ix: (_ix + i, 0))


def _blkF(ix):
    return pl.BlockSpec((BN, F), lambda i, _ix=ix: (_ix + i, 0))


def _tc_prescale_body(d0, d1, x, o):
    dinv = lax.rsqrt(d0[:, :1] + d1[:, :1] + 1.0)
    o[...] = x[...] * dinv


_tc_prescale = pl.pallas_call(
    _tc_prescale_body,
    grid=(GB,),
    in_specs=[_blk(0), _blk(GB), _blkF(0)],
    out_specs=_blkF(0),
    out_shape=jax.ShapeDtypeStruct((N, F), jnp.float32),
)


def _tc_layer1_body(d0, d1, a0, a1, xh, W1, b1, o):
    i = pl.program_id(0)
    dinv = lax.rsqrt(d0[:, :1] + d1[:, :1] + 1.0)
    pre = (a0[...] + a1[...] + xh[...]) * dinv
    h = jnp.dot(pre, W1[...], preferred_element_type=jnp.float32) + b1[...]
    hh = jnp.maximum(h, 0.0) * dinv
    o[pl.ds(i * BN, BN), :] = hh[:, :F]
    o[pl.ds(N + i * BN, BN), :] = hh[:, F:]


_tc_layer1 = pl.pallas_call(
    _tc_layer1_body,
    grid=(GB,),
    in_specs=[
        _blk(0), _blk(GB), _blkF(0), _blkF(GB), _blkF(0),
        pl.BlockSpec((F, H), lambda i: (0, 0)),
        pl.BlockSpec((1, H), lambda i: (0, 0)),
    ],
    out_specs=pl.BlockSpec((2 * N, F), lambda i: (0, 0)),
    out_shape=jax.ShapeDtypeStruct((2 * N, F), jnp.float32),
)


def _tc_layer2_body(d0, d1, g0, g1, hA, hB, W2, b2, Wfc, bfc, o):
    dinv = lax.rsqrt(d0[:, :1] + d1[:, :1] + 1.0)
    preA = (g0[...] + hA[...]) * dinv
    preB = (g1[...] + hB[...]) * dinv
    pre = jnp.concatenate([preA, preB], axis=1)
    t = jnp.dot(pre, W2[...], preferred_element_type=jnp.float32) + b2[...]
    t = jnp.maximum(t, 0.0)
    logits = jnp.dot(t, Wfc[...], preferred_element_type=jnp.float32) + bfc[...]
    m = jnp.max(logits, axis=1, keepdims=True)
    e = jnp.exp(logits - m)
    o[...] = e / jnp.sum(e, axis=1, keepdims=True)


_tc_layer2 = pl.pallas_call(
    _tc_layer2_body,
    grid=(GB,),
    in_specs=[
        _blk(0), _blk(GB), _blkF(0), _blkF(GB), _blkF(0), _blkF(GB),
        pl.BlockSpec((H, H), lambda i: (0, 0)),
        pl.BlockSpec((1, H), lambda i: (0, 0)),
        pl.BlockSpec((H, CLS), lambda i: (0, 0)),
        pl.BlockSpec((1, CLS), lambda i: (0, 0)),
    ],
    out_specs=pl.BlockSpec((BN, CLS), lambda i: (i, 0)),
    out_shape=jax.ShapeDtypeStruct((N, CLS), jnp.float32),
)



def kernel(x, edge_index, W1, b1, W2, b2, Wfc, bfc):
    src = edge_index[0].astype(jnp.int32)
    dst = edge_index[1].astype(jnp.int32)
    pad = EPAD - E
    pad_src = jnp.arange(pad, dtype=jnp.int32) % N
    pad_dst = N + jnp.arange(pad, dtype=jnp.int32) % (NPAD - N)
    src2d = jnp.concatenate([src, pad_src]).reshape(ECH, CH)
    dst2d = jnp.concatenate([dst, pad_dst]).reshape(ECH, CH)
    srcs2 = jnp.concatenate([src2d, src2d + N], axis=0)
    dsts2 = jnp.concatenate([dst2d, dst2d], axis=0)
    ones8 = jnp.ones((CH, 16), jnp.float32)
    zer8 = jnp.zeros((NPAD, 16), jnp.float32)
    zerF = jnp.zeros((NPAD, F), jnp.float32)

    deg = _sc_degree(dst2d, ones8, zer8)
    xh = _tc_prescale(deg, deg, x)
    agg = _sc_edge_sum_split(xh, src2d, dst2d, zerF)
    tabs = _tc_layer1(deg, deg, agg, agg, xh, W1, b1.reshape(1, H))
    g = _sc_edge_sum_sharded(tabs, srcs2, dsts2, zerF)
    return _tc_layer2(deg, deg, g, g, tabs, tabs, W2,
                      b2.reshape(1, H), Wfc, bfc.reshape(1, CLS))

# --- scband reference (transcript-rebuilt; emitter-appended) ---
"""Pipeline reference for scband-gnnclassifier-86139864089274 (READ-ONLY COPY).

The authoritative reference and input builder live on the scoring server;
editing this copy changes nothing except your own understanding.
"""

import jax, jax.numpy as jnp
import numpy as np

NUM_NODES = 10000
NUM_EDGES = 320000
NUM_FEATURES = 128
HIDDEN_DIM = 256
NUM_CLASSES = 40


def setup_inputs(seed: int = 0) -> dict:
    key = jax.random.key(seed)
    ks = jax.random.split(key, 8)
    x = jax.random.normal(ks[0], (NUM_NODES, NUM_FEATURES), dtype=jnp.float32)
    edge_index = jax.random.randint(ks[1], (2, NUM_EDGES), 0, NUM_NODES, dtype=jnp.int64)
    # GCNConv params (glorot weights, zero bias, matching PyG GCNConv: W [in, out], bias [out])
    s1 = (6.0 / (NUM_FEATURES + HIDDEN_DIM)) ** 0.5
    W1 = jax.random.uniform(ks[2], (NUM_FEATURES, HIDDEN_DIM), jnp.float32, -s1, s1)
    b1 = jnp.zeros((HIDDEN_DIM,), jnp.float32)
    s2 = (6.0 / (HIDDEN_DIM + HIDDEN_DIM)) ** 0.5
    W2 = jax.random.uniform(ks[3], (HIDDEN_DIM, HIDDEN_DIM), jnp.float32, -s2, s2)
    b2 = jnp.zeros((HIDDEN_DIM,), jnp.float32)
    sf = (1.0 / HIDDEN_DIM) ** 0.5
    Wfc = jax.random.uniform(ks[4], (HIDDEN_DIM, NUM_CLASSES), jnp.float32, -sf, sf)
    bfc = jax.random.uniform(ks[5], (NUM_CLASSES,), jnp.float32, -sf, sf)
    return {"x": x, "edge_index": edge_index, "W1": W1, "b1": b1, "W2": W2, "b2": b2, "Wfc": Wfc, "bfc": bfc}


def _gcn_conv(x, src, dst, W, b, num_nodes):
    # PyG GCNConv: add self-loops, symmetric normalization, sum aggregation, bias after agg.
    loop = jnp.arange(num_nodes, dtype=src.dtype)
    src = jnp.concatenate([src, loop])
    dst = jnp.concatenate([dst, loop])
    h = x @ W
    deg = jnp.zeros((num_nodes,), jnp.float32).at[dst].add(1.0)
    dinv = jnp.where(deg > 0, jax.lax.rsqrt(jnp.maximum(deg, 1e-12)), 0.0)
    norm = dinv[src] * dinv[dst]
    msg = h[src] * norm[:, None]
    out = jnp.zeros((num_nodes, h.shape[1]), jnp.float32).at[dst].add(msg)
    return out + b


def reference(x, edge_index, W1, b1, W2, b2, Wfc, bfc):
    src = edge_index[0]
    dst = edge_index[1]
    n = x.shape[0]
    h = _gcn_conv(x, src, dst, W1, b1, n)
    h = jax.nn.relu(h)
    # dropout is identity in eval mode
    h = _gcn_conv(h, src, dst, W2, b2, n)
    h = jax.nn.relu(h)
    h = h @ Wfc + bfc
    return jax.nn.softmax(h, axis=1)

if __name__ == "__main__":
    import jax
    _d = setup_inputs()
    print(jax.jit(kernel)(*tuple(_d.values())))

</pallas_src>

<mosaic_0001>
#map = affine_map<(d0, d1) -> (0, 0)>
module attributes {stable_mosaic.version = 14 : i64} {
  func.func @_sc_degree(%arg0: i32, %arg1: i32, %arg2: memref<2560x128xi32, #tpu.memory_space<hbm>>, %arg3: memref<128x16xf32, #tpu.memory_space<hbm>>, %arg4: memref<10112x16xf32, #tpu.memory_space<hbm>>, %arg5: memref<20112x16xf32, #tpu.memory_space<hbm>>, %arg6: memref<16x128xi32, #tpu.memory_space<vmem>>, %arg7: memref<128x16xf32, #tpu.memory_space<vmem>>, %arg8: memref<10112x16xf32, #tpu.memory_space<vmem_shared>>) attributes {dimension_semantics = [#tpu.dimension_semantics<core_parallel>, #tpu.dimension_semantics<subcore_parallel>], iteration_bounds = array<i64: 2, 16>, scalar_prefetch = 0 : i64, scratch_operands = 3 : i64, tpu.core_type = #tpu.core_type<sc_vector_subcore>, window_params = [{transform_indices = #map}, {transform_indices = #map}, {transform_indices = #map}, {transform_indices = #map}]} {
    %mul3A = arith.constant 16 : i32
    %mul3A_0 = arith.muli %arg0, %mul3A : i32
    %add3A = arith.addi %mul3A_0, %arg1 : i32
    %mul3A_1 = arith.constant 632 : i32
    %mul3A_2 = arith.muli %arg1, %mul3A_1 : i32
    "tpu.region"() ({
      %run_scoped3A = tpu.sem_alloc : memref<!tpu.dma_semaphore, #tpu.memory_space<semaphore_mem>>
      %dma_start3A = arith.constant 0 : i32
      %dma_start3A_18 = tpu.memref_slice %arg8[%mul3A_2, %dma_start3A] : memref<10112x16xf32, #tpu.memory_space<vmem_shared>> -> memref<632x16xf32, #tpu.memory_space<vmem_shared>>
      %dma_start3A_19 = arith.constant 0 : i32
      %dma_start3A_20 = tpu.memref_slice %arg4[%mul3A_2, %dma_start3A_19] : memref<10112x16xf32, #tpu.memory_space<hbm>> -> memref<632x16xf32, #tpu.memory_space<hbm>>
      tpu.enqueue_dma source(%dma_start3A_20 : memref<632x16xf32, #tpu.memory_space<hbm>>) target(%dma_start3A_18 : memref<632x16xf32, #tpu.memory_space<vmem_shared>>) target_semaphore(%run_scoped3A : memref<!tpu.dma_semaphore, #tpu.memory_space<semaphore_mem>>)
      %dma_wait3A = arith.constant 0 : i32
      %dma_wait3A_21 = tpu.memref_slice %arg8[%mul3A_2, %dma_wait3A] : memref<10112x16xf32, #tpu.memory_space<vmem_shared>> -> memref<632x16xf32, #tpu.memory_space<vmem_shared>>
      %dma_wait3A_22 = arith.constant 0 : i32
      %dma_wait3A_23 = tpu.memref_slice %arg4[%mul3A_2, %dma_wait3A_22] : memref<10112x16xf32, #tpu.memory_space<hbm>> -> memref<632x16xf32, #tpu.memory_space<hbm>>
      tpu.wait_dma2 semaphore(%run_scoped3A : memref<!tpu.dma_semaphore, #tpu.memory_space<semaphore_mem>>) src(%dma_wait3A_23 : memref<632x16xf32, #tpu.memory_space<hbm>>) dst(%dma_wait3A_21 : memref<632x16xf32, #tpu.memory_space<vmem_shared>>)
      tpu.yield
    }) : () -> ()
    "tpu.region"() ({
      %run_scoped3A = tpu.sem_alloc : memref<!tpu.dma_semaphore, #tpu.memory_space<semaphore_mem>>
      tpu.enqueue_dma source(%arg3 : memref<128x16xf32, #tpu.memory_space<hbm>>) target(%arg7 : memref<128x16xf32, #tpu.memory_space<vmem>>) target_semaphore(%run_scoped3A : memref<!tpu.dma_semaphore, #tpu.memory_space<semaphore_mem>>)
      tpu.wait_dma2 semaphore(%run_scoped3A : memref<!tpu.dma_semaphore, #tpu.memory_space<semaphore_mem>>) src(%arg3 : memref<128x16xf32, #tpu.memory_space<hbm>>) dst(%arg7 : memref<128x16xf32, #tpu.memory_space<vmem>>)
      tpu.yield
    }) : () -> ()
    %barrier3A = arith.constant 0 : index
    tpu.barrier barrier_id(%barrier3A)
    %scan3A = arith.constant 0 : i32
    %scan3A_3 = arith.constant 5 : i32
    %scan3A_4 = arith.addi %scan3A, %scan3A_3 : i32
    %scan3A_5 = arith.constant 1 : i32
    scf.for %scan3A_18 = %scan3A to %scan3A_4 step %scan3A_5  : i32 {
      %mul3A_19 = arith.constant 80 : i32
      %mul3A_20 = arith.muli %add3A, %mul3A_19 : i32
      %mul3A_21 = arith.constant 16 : i32
      %mul3A_22 = arith.muli %scan3A_18, %mul3A_21 : i32
      %add3A_23 = arith.addi %mul3A_20, %mul3A_22 : i32
      "tpu.region"() ({
        %run_scoped3A = tpu.sem_alloc : memref<!tpu.dma_semaphore, #tpu.memory_space<semaphore_mem>>
        %dma_start3A = arith.constant 0 : i32
        %dma_start3A_29 = tpu.memref_slice %arg2[%add3A_23, %dma_start3A] : memref<2560x128xi32, #tpu.memory_space<hbm>> -> memref<16x128xi32, #tpu.memory_space<hbm>>
        %dma_start3A_30 = arith.constant 0 : i32
        %dma_start3A_31 = tpu.memref_slice %arg2[%add3A_23, %dma_start3A_30] : memref<2560x128xi32, #tpu.memory_space<hbm>> -> memref<16x128xi32, #tpu.memory_space<hbm>>
        tpu.enqueue_dma source(%dma_start3A_31 : memref<16x128xi32, #tpu.memory_space<hbm>>) target(%arg6 : memref<16x128xi32, #tpu.memory_space<vmem>>) target_semaphore(%run_scoped3A : memref<!tpu.dma_semaphore, #tpu.memory_space<semaphore_mem>>)
        %dma_wait3A = arith.constant 0 : i32
        %dma_wait3A_32 = tpu.memref_slice %arg2[%add3A_23, %dma_wait3A] : memref<2560x128xi32, #tpu.memory_space<hbm>> -> memref<16x128xi32, #tpu.memory_space<hbm>>
        %dma_wait3A_33 = arith.constant 0 : i32
        %dma_wait3A_34 = tpu.memref_slice %arg2[%add3A_23, %dma_wait3A_33] : memref<2560x128xi32, #tpu.memory_space<hbm>> -> memref<16x128xi32, #tpu.memory_space<hbm>>
        tpu.wait_dma2 semaphore(%run_scoped3A : memref<!tpu.dma_semaphore, #tpu.memory_space<semaphore_mem>>) src(%dma_wait3A_34 : memref<16x128xi32, #tpu.memory_space<hbm>>) dst(%arg6 : memref<16x128xi32, #tpu.memory_space<vmem>>)
        tpu.yield
      }) : () -> ()
      %scan3A_24 = arith.constant 0 : i32
      %scan3A_25 = arith.constant 16 : i32
      %scan3A_26 = arith.addi %scan3A_24, %scan3A_25 : i32
      %scan3A_27 = arith.constant 1 : i32
      scf.for %scan3A_29 = %scan3A_24 to %scan3A_26 step %scan3A_27  : i32 {
        "tpu.region"() ({
          %run_scoped3A = tpu.sem_alloc : memref<!tpu.dma_semaphore, #tpu.memory_space<semaphore_mem>>
          %dma_start3A = arith.constant 0 : i32
          %dma_start3A_30 = tpu.memref_slice %arg6[%scan3A_29, %dma_start3A] : memref<16x128xi32, #tpu.memory_space<vmem>> -> memref<1x128xi32, #tpu.memory_space<vmem>>
          %dma_start3A_31 = tpu.memref_squeeze %dma_start3A_30 : memref<1x128xi32, #tpu.memory_space<vmem>> -> memref<128xi32, #tpu.memory_space<vmem>>
          %dma_start3A_32 = arith.constant 0 : i32
          %dma_start3A_33 = arith.constant 0 : i32
          %dma_start3A_34 = tpu.memref_slice %arg8[%dma_start3A_32, %dma_start3A_33] : memref<10112x16xf32, #tpu.memory_space<vmem_shared>> -> memref<10112x16xf32, #tpu.memory_space<vmem_shared>>
          tpu.enqueue_indirect_dma source(%arg7 : memref<128x16xf32, #tpu.memory_space<vmem>>) target(%dma_start3A_34 : memref<10112x16xf32, #tpu.memory_space<vmem_shared>>) offsets(%dma_start3A_31 : memref<128xi32, #tpu.memory_space<vmem>>) semaphore(%run_scoped3A : memref<!tpu.dma_semaphore, #tpu.memory_space<semaphore_mem>>) {add = true}
          %dma_wait3A = arith.constant 0 : i32
          %dma_wait3A_35 = tpu.memref_slice %arg6[%scan3A_29, %dma_wait3A] : memref<16x128xi32, #tpu.memory_space<vmem>> -> memref<1x128xi32, #tpu.memory_space<vmem>>
          %dma_wait3A_36 = tpu.memref_squeeze %dma_wait3A_35 : memref<1x128xi32, #tpu.memory_space<vmem>> -> memref<128xi32, #tpu.memory_space<vmem>>
          %dma_wait3A_37 = arith.constant 0 : i32
          %dma_wait3A_38 = arith.constant 0 : i32
          %dma_wait3A_39 = tpu.memref_slice %arg8[%dma_wait3A_37, %dma_wait3A_38] : memref<10112x16xf32, #tpu.memory_space<vmem_shared>> -> memref<10112x16xf32, #tpu.memory_space<vmem_shared>>
          tpu.wait_indirect_dma semaphore(%run_scoped3A : memref<!tpu.dma_semaphore, #tpu.memory_space<semaphore_mem>>) src(%arg7 : memref<128x16xf32, #tpu.memory_space<vmem>>) dst(%dma_wait3A_39 : memref<10112x16xf32, #tpu.memory_space<vmem_shared>>)
          tpu.yield
        }) : () -> ()
      }
      %scan3A_28 = arith.constant 16 : i32
    }
    %scan3A_6 = arith.constant 5 : i32
    %barrier3A_7 = arith.constant 0 : index
    tpu.barrier barrier_id(%barrier3A_7)
    %mul3A_8 = arith.constant 632 : i32
    %mul3A_9 = arith.muli %arg1, %mul3A_8 : i32
    %eq3A = arith.constant 0 : i32
    %eq3A_10 = arith.cmpi eq, %arg0, %eq3A : i32
    %eq3A_11 = arith.constant 15 : i32
    %eq3A_12 = arith.cmpi eq, %arg1, %eq3A_11 : i32
    %and3A = arith.andi %eq3A_10, %eq3A_12 : i1
    %convert_element_type3A = arith.extui %and3A : i1 to i32
    %cond3A = arith.constant 0 : i32
    %cond3A_13 = arith.cmpi ne, %convert_element_type3A, %cond3A : i32
    scf.if %cond3A_13 {
      "tpu.region"() ({
        %run_scoped3A = tpu.sem_alloc : memref<!tpu.dma_semaphore, #tpu.memory_space<semaphore_mem>>
        %dma_start3A = arith.constant 9480 : i32
        %dma_start3A_18 = arith.constant 0 : i32
        %dma_start3A_19 = tpu.memref_slice %arg5[%dma_start3A, %dma_start3A_18] : memref<20112x16xf32, #tpu.memory_space<hbm>> -> memref<520x16xf32, #tpu.memory_space<hbm>>
        %dma_start3A_20 = arith.constant 9480 : i32
        %dma_start3A_21 = arith.constant 0 : i32
        %dma_start3A_22 = tpu.memref_slice %arg8[%dma_start3A_20, %dma_start3A_21] : memref<10112x16xf32, #tpu.memory_space<vmem_shared>> -> memref<520x16xf32, #tpu.memory_space<vmem_shared>>
        tpu.enqueue_dma source(%dma_start3A_22 : memref<520x16xf32, #tpu.memory_space<vmem_shared>>) target(%dma_start3A_19 : memref<520x16xf32, #tpu.memory_space<hbm>>) target_semaphore(%run_scoped3A : memref<!tpu.dma_semaphore, #tpu.memory_space<semaphore_mem>>)
        %dma_wait3A = arith.constant 9480 : i32
        %dma_wait3A_23 = arith.constant 0 : i32
        %dma_wait3A_24 = tpu.memref_slice %arg5[%dma_wait3A, %dma_wait3A_23] : memref<20112x16xf32, #tpu.memory_space<hbm>> -> memref<520x16xf32, #tpu.memory_space<hbm>>
        %dma_wait3A_25 = arith.constant 9480 : i32
        %dma_wait3A_26 = arith.constant 0 : i32
        %dma_wait3A_27 = tpu.memref_slice %arg8[%dma_wait3A_25, %dma_wait3A_26] : memref<10112x16xf32, #tpu.memory_space<vmem_shared>> -> memref<520x16xf32, #tpu.memory_space<vmem_shared>>
        tpu.wait_dma2 semaphore(%run_scoped3A : memref<!tpu.dma_semaphore, #tpu.memory_space<semaphore_mem>>) src(%dma_wait3A_27 : memref<520x16xf32, #tpu.memory_space<vmem_shared>>) dst(%dma_wait3A_24 : memref<520x16xf32, #tpu.memory_space<hbm>>)
        tpu.yield
      }) : () -> ()
    } else {
    }
    %not3A = arith.constant true
    %not3A_14 = arith.xori %and3A, %not3A : i1
    %convert_element_type3A_15 = arith.extui %not3A_14 : i1 to i32
    %cond3A_16 = arith.constant 0 : i32
    %cond3A_17 = arith.cmpi ne, %convert_element_type3A_15, %cond3A_16 : i32
    scf.if %cond3A_17 {
      %mul3A_18 = arith.constant 10000 : i32
      %mul3A_19 = arith.muli %arg0, %mul3A_18 : i32
      %add3A_20 = arith.addi %mul3A_19, %mul3A_9 : i32
      "tpu.region"() ({
        %run_scoped3A = tpu.sem_alloc : memref<!tpu.dma_semaphore, #tpu.memory_space<semaphore_mem>>
        %dma_start3A = arith.constant 0 : i32
        %dma_start3A_21 = tpu.memref_slice %arg5[%add3A_20, %dma_start3A] : memref<20112x16xf32, #tpu.memory_space<hbm>> -> memref<632x16xf32, #tpu.memory_space<hbm>>
        %dma_start3A_22 = arith.constant 0 : i32
        %dma_start3A_23 = tpu.memref_slice %arg8[%mul3A_9, %dma_start3A_22] : memref<10112x16xf32, #tpu.memory_space<vmem_shared>> -> memref<632x16xf32, #tpu.memory_space<vmem_shared>>
        tpu.enqueue_dma source(%dma_start3A_23 : memref<632x16xf32, #tpu.memory_space<vmem_shared>>) target(%dma_start3A_21 : memref<632x16xf32, #tpu.memory_space<hbm>>) target_semaphore(%run_scoped3A : memref<!tpu.dma_semaphore, #tpu.memory_space<semaphore_mem>>)
        %dma_wait3A = arith.constant 0 : i32
        %dma_wait3A_24 = tpu.memref_slice %arg5[%add3A_20, %dma_wait3A] : memref<20112x16xf32, #tpu.memory_space<hbm>> -> memref<632x16xf32, #tpu.memory_space<hbm>>
        %dma_wait3A_25 = arith.constant 0 : i32
        %dma_wait3A_26 = tpu.memref_slice %arg8[%mul3A_9, %dma_wait3A_25] : memref<10112x16xf32, #tpu.memory_space<vmem_shared>> -> memref<632x16xf32, #tpu.memory_space<vmem_shared>>
        tpu.wait_dma2 semaphore(%run_scoped3A : memref<!tpu.dma_semaphore, #tpu.memory_space<semaphore_mem>>) src(%dma_wait3A_26 : memref<632x16xf32, #tpu.memory_space<vmem_shared>>) dst(%dma_wait3A_24 : memref<632x16xf32, #tpu.memory_space<hbm>>)
        tpu.yield
      }) : () -> ()
    } else {
    }
    return
  }
}

#map = affine_map<(d0, d1) -> (0, 0)>
module attributes {stable_mosaic.version = 14 : i64} {
  func.func @_sc_edge_sum_split(%arg0: i32, %arg1: i32, %arg2: memref<10000x128xf32, #tpu.memory_space<hbm>>, %arg3: memref<2560x128xi32, #tpu.memory_space<hbm>>, %arg4: memref<2560x128xi32, #tpu.memory_space<hbm>>, %arg5: memref<10112x128xf32, #tpu.memory_space<hbm>>, %arg6: memref<20112x128xf32, #tpu.memory_space<hbm>>, %arg7: memref<40x128xi32, #tpu.memory_space<vmem>>, %arg8: memref<40x128xi32, #tpu.memory_space<vmem>>, %arg9: memref<2x128x128xf32, #tpu.memory_space<vmem>>, %arg10: memref<10112x128xf32, #tpu.memory_space<vmem_shared>>, %arg11: memref<!tpu.dma_semaphore, #tpu.memory_space<semaphore_mem>>, %arg12: memref<!tpu.dma_semaphore, #tpu.memory_space<semaphore_mem>>) attributes {dimension_semantics = [#tpu.dimension_semantics<core_parallel>, #tpu.dimension_semantics<subcore_parallel>], iteration_bounds = array<i64: 2, 16>, scalar_prefetch = 0 : i64, scratch_operands = 6 : i64, tpu.core_type = #tpu.core_type<sc_vector_subcore>, window_params = [{transform_indices = #map}, {transform_indices = #map}, {transform_indices = #map}, {transform_indices = #map}, {transform_indices = #map}]} {
    %mul3A = arith.constant 16 : i32
    %mul3A_0 = arith.muli %arg0, %mul3A : i32
    %add3A = arith.addi %mul3A_0, %arg1 : i32
    %mul3A_1 = arith.constant 632 : i32
    %mul3A_2 = arith.muli %arg1, %mul3A_1 : i32
    "tpu.region"() ({
      %run_scoped3A = tpu.sem_alloc : memref<!tpu.dma_semaphore, #tpu.memory_space<semaphore_mem>>
      %dma_start3A = arith.constant 0 : i32
      %dma_start3A_20 = tpu.memref_slice %arg10[%mul3A_2, %dma_start3A] : memref<10112x128xf32, #tpu.memory_space<vmem_shared>> -> memref<632x128xf32, #tpu.memory_space<vmem_shared>>
      %dma_start3A_21 = arith.constant 0 : i32
      %dma_start3A_22 = tpu.memref_slice %arg5[%mul3A_2, %dma_start3A_21] : memref<10112x128xf32, #tpu.memory_space<hbm>> -> memref<632x128xf32, #tpu.memory_space<hbm>>
      tpu.enqueue_dma source(%dma_start3A_22 : memref<632x128xf32, #tpu.memory_space<hbm>>) target(%dma_start3A_20 : memref<632x128xf32, #tpu.memory_space<vmem_shared>>) target_semaphore(%run_scoped3A : memref<!tpu.dma_semaphore, #tpu.memory_space<semaphore_mem>>)
      %dma_wait3A = arith.constant 0 : i32
      %dma_wait3A_23 = tpu.memref_slice %arg10[%mul3A_2, %dma_wait3A] : memref<10112x128xf32, #tpu.memory_space<vmem_shared>> -> memref<632x128xf32, #tpu.memory_space<vmem_shared>>
      %dma_wait3A_24 = arith.constant 0 : i32
      %dma_wait3A_25 = tpu.memref_slice %arg5[%mul3A_2, %dma_wait3A_24] : memref<10112x128xf32, #tpu.memory_space<hbm>> -> memref<632x128xf32, #tpu.memory_space<hbm>>
      tpu.wait_dma2 semaphore(%run_scoped3A : memref<!tpu.dma_semaphore, #tpu.memory_space<semaphore_mem>>) src(%dma_wait3A_25 : memref<632x128xf32, #tpu.memory_space<hbm>>) dst(%dma_wait3A_23 : memref<632x128xf32, #tpu.memory_space<vmem_shared>>)
      tpu.yield
    }) : () -> ()
    %barrier3A = arith.constant 0 : index
    tpu.barrier barrier_id(%barrier3A)
    %mul3A_3 = arith.constant 80 : i32
    %mul3A_4 = arith.muli %add3A, %mul3A_3 : i32
    %scan3A = arith.constant 0 : i32
    %scan3A_5 = arith.constant 2 : i32
    %scan3A_6 = arith.addi %scan3A, %scan3A_5 : i32
    %scan3A_7 = arith.constant 1 : i32
    scf.for %scan3A_20 = %scan3A to %scan3A_6 step %scan3A_7  : i32 {
      %mul3A_21 = arith.constant 40 : i32
      %mul3A_22 = arith.muli %scan3A_20, %mul3A_21 : i32
      %add3A_23 = arith.addi %mul3A_4, %mul3A_22 : i32
      "tpu.region"() ({
        %run_scoped3A = tpu.sem_alloc : memref<!tpu.dma_semaphore, #tpu.memory_space<semaphore_mem>>
        %dma_start3A_51 = arith.constant 0 : i32
        %dma_start3A_52 = tpu.memref_slice %arg3[%add3A_23, %dma_start3A_51] : memref<2560x128xi32, #tpu.memory_space<hbm>> -> memref<40x128xi32, #tpu.memory_space<hbm>>
        %dma_start3A_53 = arith.constant 0 : i32
        %dma_start3A_54 = tpu.memref_slice %arg3[%add3A_23, %dma_start3A_53] : memref<2560x128xi32, #tpu.memory_space<hbm>> -> memref<40x128xi32, #tpu.memory_space<hbm>>
        tpu.enqueue_dma source(%dma_start3A_54 : memref<40x128xi32, #tpu.memory_space<hbm>>) target(%arg7 : memref<40x128xi32, #tpu.memory_space<vmem>>) target_semaphore(%run_scoped3A : memref<!tpu.dma_semaphore, #tpu.memory_space<semaphore_mem>>)
        %dma_wait3A_55 = arith.constant 0 : i32
        %dma_wait3A_56 = tpu.memref_slice %arg3[%add3A_23, %dma_wait3A_55] : memref<2560x128xi32, #tpu.memory_space<hbm>> -> memref<40x128xi32, #tpu.memory_space<hbm>>
        %dma_wait3A_57 = arith.constant 0 : i32
        %dma_wait3A_58 = tpu.memref_slice %arg3[%add3A_23, %dma_wait3A_57] : memref<2560x128xi32, #tpu.memory_space<hbm>> -> memref<40x128xi32, #tpu.memory_space<hbm>>
        tpu.wait_dma2 semaphore(%run_scoped3A : memref<!tpu.dma_semaphore, #tpu.memory_space<semaphore_mem>>) src(%dma_wait3A_58 : memref<40x128xi32, #tpu.memory_space<hbm>>) dst(%arg7 : memref<40x128xi32, #tpu.memory_space<vmem>>)
        tpu.yield
      }) : () -> ()
      "tpu.region"() ({
        %run_scoped3A = tpu.sem_alloc : memref<!tpu.dma_semaphore, #tpu.memory_space<semaphore_mem>>
        %dma_start3A_51 = arith.constant 0 : i32
        %dma_start3A_52 = tpu.memref_slice %arg4[%add3A_23, %dma_start3A_51] : memref<2560x128xi32, #tpu.memory_space<hbm>> -> memref<40x128xi32, #tpu.memory_space<hbm>>
        %dma_start3A_53 = arith.constant 0 : i32
        %dma_start3A_54 = tpu.memref_slice %arg4[%add3A_23, %dma_start3A_53] : memref<2560x128xi32, #tpu.memory_space<hbm>> -> memref<40x128xi32, #tpu.memory_space<hbm>>
        tpu.enqueue_dma source(%dma_start3A_54 : memref<40x128xi32, #tpu.memory_space<hbm>>) target(%arg8 : memref<40x128xi32, #tpu.memory_space<vmem>>) target_semaphore(%run_scoped3A : memref<!tpu.dma_semaphore, #tpu.memory_space<semaphore_mem>>)
        %dma_wait3A_55 = arith.constant 0 : i32
        %dma_wait3A_56 = tpu.memref_slice %arg4[%add3A_23, %dma_wait3A_55] : memref<2560x128xi32, #tpu.memory_space<hbm>> -> memref<40x128xi32, #tpu.memory_space<hbm>>
        %dma_wait3A_57 = arith.constant 0 : i32
        %dma_wait3A_58 = tpu.memref_slice %arg4[%add3A_23, %dma_wait3A_57] : memref<2560x128xi32, #tpu.memory_space<hbm>> -> memref<40x128xi32, #tpu.memory_space<hbm>>
        tpu.wait_dma2 semaphore(%run_scoped3A : memref<!tpu.dma_semaphore, #tpu.memory_space<semaphore_mem>>) src(%dma_wait3A_58 : memref<40x128xi32, #tpu.memory_space<hbm>>) dst(%arg8 : memref<40x128xi32, #tpu.memory_space<vmem>>)
        tpu.yield
      }) : () -> ()
      %dma_start3A = arith.constant 0 : i32
      %dma_start3A_24 = arith.constant 0 : i32
      %dma_start3A_25 = arith.constant 0 : i32
      %dma_start3A_26 = arith.constant 0 : i32
      %dma_start3A_27 = tpu.memref_slice %arg9[%dma_start3A_24, %dma_start3A_25, %dma_start3A_26] : memref<2x128x128xf32, #tpu.memory_space<vmem>> -> memref<1x128x128xf32, #tpu.memory_space<vmem>>
      %dma_start3A_28 = tpu.memref_squeeze %dma_start3A_27 : memref<1x128x128xf32, #tpu.memory_space<vmem>> -> memref<128x128xf32, #tpu.memory_space<vmem>>
      %dma_start3A_29 = arith.constant 0 : i32
      %dma_start3A_30 = tpu.memref_slice %arg7[%dma_start3A, %dma_start3A_29] : memref<40x128xi32, #tpu.memory_space<vmem>> -> memref<1x128xi32, #tpu.memory_space<vmem>>
      %dma_start3A_31 = tpu.memref_squeeze %dma_start3A_30 : memref<1x128xi32, #tpu.memory_space<vmem>> -> memref<128xi32, #tpu.memory_space<vmem>>
      %dma_start3A_32 = arith.constant 0 : i32
      %dma_start3A_33 = arith.constant 0 : i32
      %dma_start3A_34 = tpu.memref_slice %arg2[%dma_start3A_32, %dma_start3A_33] : memref<10000x128xf32, #tpu.memory_space<hbm>> -> memref<10000x128xf32, #tpu.memory_space<hbm>>
      tpu.enqueue_indirect_dma source(%dma_start3A_34 : memref<10000x128xf32, #tpu.memory_space<hbm>>) target(%dma_start3A_28 : memref<128x128xf32, #tpu.memory_space<vmem>>) offsets(%dma_start3A_31 : memref<128xi32, #tpu.memory_space<vmem>>) semaphore(%arg11 : memref<!tpu.dma_semaphore, #tpu.memory_space<semaphore_mem>>)
      %scan3A_35 = arith.constant 0 : i32
      %scan3A_36 = arith.constant 40 : i32
      %scan3A_37 = arith.addi %scan3A_35, %scan3A_36 : i32
      %scan3A_38 = arith.constant 1 : i32
      scf.for %scan3A_51 = %scan3A_35 to %scan3A_37 step %scan3A_38  : i32 {
        %rem3A = arith.constant 2 : i32
        %rem3A_52 = arith.remsi %scan3A_51, %rem3A : i32
        %dma_wait3A_53 = arith.constant 0 : i32
        %dma_wait3A_54 = arith.constant 0 : i32
        %dma_wait3A_55 = tpu.memref_slice %arg9[%rem3A_52, %dma_wait3A_53, %dma_wait3A_54] : memref<2x128x128xf32, #tpu.memory_space<vmem>> -> memref<1x128x128xf32, #tpu.memory_space<vmem>>
        %dma_wait3A_56 = tpu.memref_squeeze %dma_wait3A_55 : memref<1x128x128xf32, #tpu.memory_space<vmem>> -> memref<128x128xf32, #tpu.memory_space<vmem>>
        %dma_wait3A_57 = arith.constant 0 : i32
        %dma_wait3A_58 = tpu.memref_slice %arg7[%scan3A_51, %dma_wait3A_57] : memref<40x128xi32, #tpu.memory_space<vmem>> -> memref<1x128xi32, #tpu.memory_space<vmem>>
        %dma_wait3A_59 = tpu.memref_squeeze %dma_wait3A_58 : memref<1x128xi32, #tpu.memory_space<vmem>> -> memref<128xi32, #tpu.memory_space<vmem>>
        %dma_wait3A_60 = arith.constant 0 : i32
        %dma_wait3A_61 = arith.constant 0 : i32
        %dma_wait3A_62 = tpu.memref_slice %arg2[%dma_wait3A_60, %dma_wait3A_61] : memref<10000x128xf32, #tpu.memory_space<hbm>> -> memref<10000x128xf32, #tpu.memory_space<hbm>>
        tpu.wait_indirect_dma semaphore(%arg11 : memref<!tpu.dma_semaphore, #tpu.memory_space<semaphore_mem>>) src(%dma_wait3A_62 : memref<10000x128xf32, #tpu.memory_space<hbm>>) dst(%dma_wait3A_56 : memref<128x128xf32, #tpu.memory_space<vmem>>)
        %dma_start3A_63 = arith.constant 0 : i32
        %dma_start3A_64 = arith.constant 0 : i32
        %dma_start3A_65 = tpu.memref_slice %arg9[%rem3A_52, %dma_start3A_63, %dma_start3A_64] : memref<2x128x128xf32, #tpu.memory_space<vmem>> -> memref<1x128x128xf32, #tpu.memory_space<vmem>>
        %dma_start3A_66 = tpu.memref_squeeze %dma_start3A_65 : memref<1x128x128xf32, #tpu.memory_space<vmem>> -> memref<128x128xf32, #tpu.memory_space<vmem>>
        %dma_start3A_67 = arith.constant 0 : i32
        %dma_start3A_68 = tpu.memref_slice %arg8[%scan3A_51, %dma_start3A_67] : memref<40x128xi32, #tpu.memory_space<vmem>> -> memref<1x128xi32, #tpu.memory_space<vmem>>
        %dma_start3A_69 = tpu.memref_squeeze %dma_start3A_68 : memref<1x128xi32, #tpu.memory_space<vmem>> -> memref<128xi32, #tpu.memory_space<vmem>>
        %dma_start3A_70 = arith.constant 0 : i32
        %dma_start3A_71 = arith.constant 0 : i32
        %dma_start3A_72 = tpu.memref_slice %arg10[%dma_start3A_70, %dma_start3A_71] : memref<10112x128xf32, #tpu.memory_space<vmem_shared>> -> memref<10112x128xf32, #tpu.memory_space<vmem_shared>>
        tpu.enqueue_indirect_dma source(%dma_start3A_66 : memref<128x128xf32, #tpu.memory_space<vmem>>) target(%dma_start3A_72 : memref<10112x128xf32, #tpu.memory_space<vmem_shared>>) offsets(%dma_start3A_69 : memref<128xi32, #tpu.memory_space<vmem>>) semaphore(%arg12 : memref<!tpu.dma_semaphore, #tpu.memory_space<semaphore_mem>>) {add = true}
        %ge3A = arith.constant 1 : i32
        %ge3A_73 = arith.cmpi sge, %scan3A_51, %ge3A : i32
        %convert_element_type3A_74 = arith.extui %ge3A_73 : i1 to i32
        %cond3A_75 = arith.constant 0 : i32
        %cond3A_76 = arith.cmpi ne, %convert_element_type3A_74, %cond3A_75 : i32
        scf.if %cond3A_76 {
          %sub3A = arith.constant 1 : i32
          %sub3A_83 = arith.subi %sub3A, %rem3A_52 : i32
          %sub3A_84 = arith.constant 1 : i32
          %sub3A_85 = arith.subi %scan3A_51, %sub3A_84 : i32
          %dma_wait3A_86 = arith.constant 0 : i32
          %dma_wait3A_87 = arith.constant 0 : i32
          %dma_wait3A_88 = tpu.memref_slice %arg9[%sub3A_83, %dma_wait3A_86, %dma_wait3A_87] : memref<2x128x128xf32, #tpu.memory_space<vmem>> -> memref<1x128x128xf32, #tpu.memory_space<vmem>>
          %dma_wait3A_89 = tpu.memref_squeeze %dma_wait3A_88 : memref<1x128x128xf32, #tpu.memory_space<vmem>> -> memref<128x128xf32, #tpu.memory_space<vmem>>
          %dma_wait3A_90 = arith.constant 0 : i32
          %dma_wait3A_91 = tpu.memref_slice %arg8[%sub3A_85, %dma_wait3A_90] : memref<40x128xi32, #tpu.memory_space<vmem>> -> memref<1x128xi32, #tpu.memory_space<vmem>>
          %dma_wait3A_92 = tpu.memref_squeeze %dma_wait3A_91 : memref<1x128xi32, #tpu.memory_space<vmem>> -> memref<128xi32, #tpu.memory_space<vmem>>
          %dma_wait3A_93 = arith.constant 0 : i32
          %dma_wait3A_94 = arith.constant 0 : i32
          %dma_wait3A_95 = tpu.memref_slice %arg10[%dma_wait3A_93, %dma_wait3A_94] : memref<10112x128xf32, #tpu.memory_space<vmem_shared>> -> memref<10112x128xf32, #tpu.memory_space<vmem_shared>>
          tpu.wait_indirect_dma semaphore(%arg12 : memref<!tpu.dma_semaphore, #tpu.memory_space<semaphore_mem>>) src(%dma_wait3A_89 : memref<128x128xf32, #tpu.memory_space<vmem>>) dst(%dma_wait3A_95 : memref<10112x128xf32, #tpu.memory_space<vmem_shared>>)
        } else {
        }
        %add3A_77 = arith.constant 1 : i32
        %add3A_78 = arith.addi %scan3A_51, %add3A_77 : i32
        %lt3A = arith.constant 40 : i32
        %lt3A_79 = arith.cmpi slt, %add3A_78, %lt3A : i32
        %convert_element_type3A_80 = arith.extui %lt3A_79 : i1 to i32
        %cond3A_81 = arith.constant 0 : i32
        %cond3A_82 = arith.cmpi ne, %convert_element_type3A_80, %cond3A_81 : i32
        scf.if %cond3A_82 {
          %add3A_83 = arith.constant 1 : i32
          %add3A_84 = arith.addi %scan3A_51, %add3A_83 : i32
          %sub3A = arith.constant 1 : i32
          %sub3A_85 = arith.subi %sub3A, %rem3A_52 : i32
          %dma_start3A_86 = arith.constant 0 : i32
          %dma_start3A_87 = arith.constant 0 : i32
          %dma_start3A_88 = tpu.memref_slice %arg9[%sub3A_85, %dma_start3A_86, %dma_start3A_87] : memref<2x128x128xf32, #tpu.memory_space<vmem>> -> memref<1x128x128xf32, #tpu.memory_space<vmem>>
          %dma_start3A_89 = tpu.memref_squeeze %dma_start3A_88 : memref<1x128x128xf32, #tpu.memory_space<vmem>> -> memref<128x128xf32, #tpu.memory_space<vmem>>
          %dma_start3A_90 = arith.constant 0 : i32
          %dma_start3A_91 = tpu.memref_slice %arg7[%add3A_84, %dma_start3A_90] : memref<40x128xi32, #tpu.memory_space<vmem>> -> memref<1x128xi32, #tpu.memory_space<vmem>>
          %dma_start3A_92 = tpu.memref_squeeze %dma_start3A_91 : memref<1x128xi32, #tpu.memory_space<vmem>> -> memref<128xi32, #tpu.memory_space<vmem>>
          %dma_start3A_93 = arith.constant 0 : i32
          %dma_start3A_94 = arith.constant 0 : i32
          %dma_start3A_95 = tpu.memref_slice %arg2[%dma_start3A_93, %dma_start3A_94] : memref<10000x128xf32, #tpu.memory_space<hbm>> -> memref<10000x128xf32, #tpu.memory_space<hbm>>
          tpu.enqueue_indirect_dma source(%dma_start3A_95 : memref<10000x128xf32, #tpu.memory_space<hbm>>) target(%dma_start3A_89 : memref<128x128xf32, #tpu.memory_space<vmem>>) offsets(%dma_start3A_92 : memref<128xi32, #tpu.memory_space<vmem>>) semaphore(%arg11 : memref<!tpu.dma_semaphore, #tpu.memory_space<semaphore_mem>>)
        } else {
        }
      }
      %scan3A_39 = arith.constant 40 : i32
      %dma_wait3A = arith.constant 1 : i32
      %dma_wait3A_40 = arith.constant 39 : i32
      %dma_wait3A_41 = arith.constant 0 : i32
      %dma_wait3A_42 = arith.constant 0 : i32
      %dma_wait3A_43 = tpu.memref_slice %arg9[%dma_wait3A, %dma_wait3A_41, %dma_wait3A_42] : memref<2x128x128xf32, #tpu.memory_space<vmem>> -> memref<1x128x128xf32, #tpu.memory_space<vmem>>
      %dma_wait3A_44 = tpu.memref_squeeze %dma_wait3A_43 : memref<1x128x128xf32, #tpu.memory_space<vmem>> -> memref<128x128xf32, #tpu.memory_space<vmem>>
      %dma_wait3A_45 = arith.constant 0 : i32
      %dma_wait3A_46 = tpu.memref_slice %arg8[%dma_wait3A_40, %dma_wait3A_45] : memref<40x128xi32, #tpu.memory_space<vmem>> -> memref<1x128xi32, #tpu.memory_space<vmem>>
      %dma_wait3A_47 = tpu.memref_squeeze %dma_wait3A_46 : memref<1x128xi32, #tpu.memory_space<vmem>> -> memref<128xi32, #tpu.memory_space<vmem>>
      %dma_wait3A_48 = arith.constant 0 : i32
      %dma_wait3A_49 = arith.constant 0 : i32
      %dma_wait3A_50 = tpu.memref_slice %arg10[%dma_wait3A_48, %dma_wait3A_49] : memref<10112x128xf32, #tpu.memory_space<vmem_shared>> -> memref<10112x128xf32, #tpu.memory_space<vmem_shared>>
      tpu.wait_indirect_dma semaphore(%arg12 : memref<!tpu.dma_semaphore, #tpu.memory_space<semaphore_mem>>) src(%dma_wait3A_44 : memref<128x128xf32, #tpu.memory_space<vmem>>) dst(%dma_wait3A_50 : memref<10112x128xf32, #tpu.memory_space<vmem_shared>>)
    }
    %scan3A_8 = arith.constant 2 : i32
    %barrier3A_9 = arith.constant 0 : index
    tpu.barrier barrier_id(%barrier3A_9)
    %mul3A_10 = arith.constant 632 : i32
    %mul3A_11 = arith.muli %arg1, %mul3A_10 : i32
    %eq3A = arith.constant 0 : i32
    %eq3A_12 = arith.cmpi eq, %arg0, %eq3A : i32
    %eq3A_13 = arith.constant 15 : i32
    %eq3A_14 = arith.cmpi eq, %arg1, %eq3A_13 : i32
    %and3A = arith.andi %eq3A_12, %eq3A_14 : i1
    %convert_element_type3A = arith.extui %and3A : i1 to i32
    %cond3A = arith.constant 0 : i32
    %cond3A_15 = arith.cmpi ne, %convert_element_type3A, %cond3A : i32
    scf.if %cond3A_15 {
      "tpu.region"() ({
        %run_scoped3A = tpu.sem_alloc : memref<!tpu.dma_semaphore, #tpu.memory_space<semaphore_mem>>
        %dma_start3A = arith.constant 9480 : i32
        %dma_start3A_20 = arith.constant 0 : i32
        %dma_start3A_21 = tpu.memref_slice %arg6[%dma_start3A, %dma_start3A_20] : memref<20112x128xf32, #tpu.memory_space<hbm>> -> memref<520x128xf32, #tpu.memory_space<hbm>>
        %dma_start3A_22 = arith.constant 9480 : i32
        %dma_start3A_23 = arith.constant 0 : i32
        %dma_start3A_24 = tpu.memref_slice %arg10[%dma_start3A_22, %dma_start3A_23] : memref<10112x128xf32, #tpu.memory_space<vmem_shared>> -> memref<520x128xf32, #tpu.memory_space<vmem_shared>>
        tpu.enqueue_dma source(%dma_start3A_24 : memref<520x128xf32, #tpu.memory_space<vmem_shared>>) target(%dma_start3A_21 : memref<520x128xf32, #tpu.memory_space<hbm>>) target_semaphore(%run_scoped3A : memref<!tpu.dma_semaphore, #tpu.memory_space<semaphore_mem>>)
        %dma_wait3A = arith.constant 9480 : i32
        %dma_wait3A_25 = arith.constant 0 : i32
        %dma_wait3A_26 = tpu.memref_slice %arg6[%dma_wait3A, %dma_wait3A_25] : memref<20112x128xf32, #tpu.memory_space<hbm>> -> memref<520x128xf32, #tpu.memory_space<hbm>>
        %dma_wait3A_27 = arith.constant 9480 : i32
        %dma_wait3A_28 = arith.constant 0 : i32
        %dma_wait3A_29 = tpu.memref_slice %arg10[%dma_wait3A_27, %dma_wait3A_28] : memref<10112x128xf32, #tpu.memory_space<vmem_shared>> -> memref<520x128xf32, #tpu.memory_space<vmem_shared>>
        tpu.wait_dma2 semaphore(%run_scoped3A : memref<!tpu.dma_semaphore, #tpu.memory_space<semaphore_mem>>) src(%dma_wait3A_29 : memref<520x128xf32, #tpu.memory_space<vmem_shared>>) dst(%dma_wait3A_26 : memref<520x128xf32, #tpu.memory_space<hbm>>)
        tpu.yield
      }) : () -> ()
    } else {
    }
    %not3A = arith.constant true
    %not3A_16 = arith.xori %and3A, %not3A : i1
    %convert_element_type3A_17 = arith.extui %not3A_16 : i1 to i32
    %cond3A_18 = arith.constant 0 : i32
    %cond3A_19 = arith.cmpi ne, %convert_element_type3A_17, %cond3A_18 : i32
    scf.if %cond3A_19 {
      %mul3A_20 = arith.constant 10000 : i32
      %mul3A_21 = arith.muli %arg0, %mul3A_20 : i32
      %add3A_22 = arith.addi %mul3A_21, %mul3A_11 : i32
      "tpu.region"() ({
        %run_scoped3A = tpu.sem_alloc : memref<!tpu.dma_semaphore, #tpu.memory_space<semaphore_mem>>
        %dma_start3A = arith.constant 0 : i32
        %dma_start3A_23 = tpu.memref_slice %arg6[%add3A_22, %dma_start3A] : memref<20112x128xf32, #tpu.memory_space<hbm>> -> memref<632x128xf32, #tpu.memory_space<hbm>>
        %dma_start3A_24 = arith.constant 0 : i32
        %dma_start3A_25 = tpu.memref_slice %arg10[%mul3A_11, %dma_start3A_24] : memref<10112x128xf32, #tpu.memory_space<vmem_shared>> -> memref<632x128xf32, #tpu.memory_space<vmem_shared>>
        tpu.enqueue_dma source(%dma_start3A_25 : memref<632x128xf32, #tpu.memory_space<vmem_shared>>) target(%dma_start3A_23 : memref<632x128xf32, #tpu.memory_space<hbm>>) target_semaphore(%run_scoped3A : memref<!tpu.dma_semaphore, #tpu.memory_space<semaphore_mem>>)
        %dma_wait3A = arith.constant 0 : i32
        %dma_wait3A_26 = tpu.memref_slice %arg6[%add3A_22, %dma_wait3A] : memref<20112x128xf32, #tpu.memory_space<hbm>> -> memref<632x128xf32, #tpu.memory_space<hbm>>
        %dma_wait3A_27 = arith.constant 0 : i32
        %dma_wait3A_28 = tpu.memref_slice %arg10[%mul3A_11, %dma_wait3A_27] : memref<10112x128xf32, #tpu.memory_space<vmem_shared>> -> memref<632x128xf32, #tpu.memory_space<vmem_shared>>
        tpu.wait_dma2 semaphore(%run_scoped3A : memref<!tpu.dma_semaphore, #tpu.memory_space<semaphore_mem>>) src(%dma_wait3A_28 : memref<632x128xf32, #tpu.memory_space<vmem_shared>>) dst(%dma_wait3A_26 : memref<632x128xf32, #tpu.memory_space<hbm>>)
        tpu.yield
      }) : () -> ()
    } else {
    }
    return
  }
}

#map = affine_map<(d0, d1) -> (0, 0)>
module attributes {stable_mosaic.version = 14 : i64} {
  func.func @_sc_edge_sum_sharded(%arg0: i32, %arg1: i32, %arg2: memref<20000x128xf32, #tpu.memory_space<hbm>>, %arg3: memref<5120x128xi32, #tpu.memory_space<hbm>>, %arg4: memref<5120x128xi32, #tpu.memory_space<hbm>>, %arg5: memref<10112x128xf32, #tpu.memory_space<hbm>>, %arg6: memref<20112x128xf32, #tpu.memory_space<hbm>>, %arg7: memref<40x128xi32, #tpu.memory_space<vmem>>, %arg8: memref<40x128xi32, #tpu.memory_space<vmem>>, %arg9: memref<2x128x128xf32, #tpu.memory_space<vmem>>, %arg10: memref<10112x128xf32, #tpu.memory_space<vmem_shared>>, %arg11: memref<!tpu.dma_semaphore, #tpu.memory_space<semaphore_mem>>, %arg12: memref<!tpu.dma_semaphore, #tpu.memory_space<semaphore_mem>>) attributes {dimension_semantics = [#tpu.dimension_semantics<core_parallel>, #tpu.dimension_semantics<subcore_parallel>], iteration_bounds = array<i64: 2, 16>, scalar_prefetch = 0 : i64, scratch_operands = 6 : i64, tpu.core_type = #tpu.core_type<sc_vector_subcore>, window_params = [{transform_indices = #map}, {transform_indices = #map}, {transform_indices = #map}, {transform_indices = #map}, {transform_indices = #map}]} {
    %mul3A = arith.constant 632 : i32
    %mul3A_0 = arith.muli %arg1, %mul3A : i32
    "tpu.region"() ({
      %run_scoped3A = tpu.sem_alloc : memref<!tpu.dma_semaphore, #tpu.memory_space<semaphore_mem>>
      %dma_start3A = arith.constant 0 : i32
      %dma_start3A_20 = tpu.memref_slice %arg10[%mul3A_0, %dma_start3A] : memref<10112x128xf32, #tpu.memory_space<vmem_shared>> -> memref<632x128xf32, #tpu.memory_space<vmem_shared>>
      %dma_start3A_21 = arith.constant 0 : i32
      %dma_start3A_22 = tpu.memref_slice %arg5[%mul3A_0, %dma_start3A_21] : memref<10112x128xf32, #tpu.memory_space<hbm>> -> memref<632x128xf32, #tpu.memory_space<hbm>>
      tpu.enqueue_dma source(%dma_start3A_22 : memref<632x128xf32, #tpu.memory_space<hbm>>) target(%dma_start3A_20 : memref<632x128xf32, #tpu.memory_space<vmem_shared>>) target_semaphore(%run_scoped3A : memref<!tpu.dma_semaphore, #tpu.memory_space<semaphore_mem>>)
      %dma_wait3A = arith.constant 0 : i32
      %dma_wait3A_23 = tpu.memref_slice %arg10[%mul3A_0, %dma_wait3A] : memref<10112x128xf32, #tpu.memory_space<vmem_shared>> -> memref<632x128xf32, #tpu.memory_space<vmem_shared>>
      %dma_wait3A_24 = arith.constant 0 : i32
      %dma_wait3A_25 = tpu.memref_slice %arg5[%mul3A_0, %dma_wait3A_24] : memref<10112x128xf32, #tpu.memory_space<hbm>> -> memref<632x128xf32, #tpu.memory_space<hbm>>
      tpu.wait_dma2 semaphore(%run_scoped3A : memref<!tpu.dma_semaphore, #tpu.memory_space<semaphore_mem>>) src(%dma_wait3A_25 : memref<632x128xf32, #tpu.memory_space<hbm>>) dst(%dma_wait3A_23 : memref<632x128xf32, #tpu.memory_space<vmem_shared>>)
      tpu.yield
    }) : () -> ()
    %barrier3A = arith.constant 0 : index
    tpu.barrier barrier_id(%barrier3A)
    %mul3A_1 = arith.constant 2560 : i32
    %mul3A_2 = arith.muli %arg0, %mul3A_1 : i32
    %mul3A_3 = arith.constant 160 : i32
    %mul3A_4 = arith.muli %arg1, %mul3A_3 : i32
    %add3A = arith.addi %mul3A_2, %mul3A_4 : i32
    %scan3A = arith.constant 0 : i32
    %scan3A_5 = arith.constant 4 : i32
    %scan3A_6 = arith.addi %scan3A, %scan3A_5 : i32
    %scan3A_7 = arith.constant 1 : i32
    scf.for %scan3A_20 = %scan3A to %scan3A_6 step %scan3A_7  : i32 {
      %mul3A_21 = arith.constant 40 : i32
      %mul3A_22 = arith.muli %scan3A_20, %mul3A_21 : i32
      %add3A_23 = arith.addi %add3A, %mul3A_22 : i32
      "tpu.region"() ({
        %run_scoped3A = tpu.sem_alloc : memref<!tpu.dma_semaphore, #tpu.memory_space<semaphore_mem>>
        %dma_start3A_51 = arith.constant 0 : i32
        %dma_start3A_52 = tpu.memref_slice %arg3[%add3A_23, %dma_start3A_51] : memref<5120x128xi32, #tpu.memory_space<hbm>> -> memref<40x128xi32, #tpu.memory_space<hbm>>
        %dma_start3A_53 = arith.constant 0 : i32
        %dma_start3A_54 = tpu.memref_slice %arg3[%add3A_23, %dma_start3A_53] : memref<5120x128xi32, #tpu.memory_space<hbm>> -> memref<40x128xi32, #tpu.memory_space<hbm>>
        tpu.enqueue_dma source(%dma_start3A_54 : memref<40x128xi32, #tpu.memory_space<hbm>>) target(%arg7 : memref<40x128xi32, #tpu.memory_space<vmem>>) target_semaphore(%run_scoped3A : memref<!tpu.dma_semaphore, #tpu.memory_space<semaphore_mem>>)
        %dma_wait3A_55 = arith.constant 0 : i32
        %dma_wait3A_56 = tpu.memref_slice %arg3[%add3A_23, %dma_wait3A_55] : memref<5120x128xi32, #tpu.memory_space<hbm>> -> memref<40x128xi32, #tpu.memory_space<hbm>>
        %dma_wait3A_57 = arith.constant 0 : i32
        %dma_wait3A_58 = tpu.memref_slice %arg3[%add3A_23, %dma_wait3A_57] : memref<5120x128xi32, #tpu.memory_space<hbm>> -> memref<40x128xi32, #tpu.memory_space<hbm>>
        tpu.wait_dma2 semaphore(%run_scoped3A : memref<!tpu.dma_semaphore, #tpu.memory_space<semaphore_mem>>) src(%dma_wait3A_58 : memref<40x128xi32, #tpu.memory_space<hbm>>) dst(%arg7 : memref<40x128xi32, #tpu.memory_space<vmem>>)
        tpu.yield
      }) : () -> ()
      "tpu.region"() ({
        %run_scoped3A = tpu.sem_alloc : memref<!tpu.dma_semaphore, #tpu.memory_space<semaphore_mem>>
        %dma_start3A_51 = arith.constant 0 : i32
        %dma_start3A_52 = tpu.memref_slice %arg4[%add3A_23, %dma_start3A_51] : memref<5120x128xi32, #tpu.memory_space<hbm>> -> memref<40x128xi32, #tpu.memory_space<hbm>>
        %dma_start3A_53 = arith.constant 0 : i32
        %dma_start3A_54 = tpu.memref_slice %arg4[%add3A_23, %dma_start3A_53] : memref<5120x128xi32, #tpu.memory_space<hbm>> -> memref<40x128xi32, #tpu.memory_space<hbm>>
        tpu.enqueue_dma source(%dma_start3A_54 : memref<40x128xi32, #tpu.memory_space<hbm>>) target(%arg8 : memref<40x128xi32, #tpu.memory_space<vmem>>) target_semaphore(%run_scoped3A : memref<!tpu.dma_semaphore, #tpu.memory_space<semaphore_mem>>)
        %dma_wait3A_55 = arith.constant 0 : i32
        %dma_wait3A_56 = tpu.memref_slice %arg4[%add3A_23, %dma_wait3A_55] : memref<5120x128xi32, #tpu.memory_space<hbm>> -> memref<40x128xi32, #tpu.memory_space<hbm>>
        %dma_wait3A_57 = arith.constant 0 : i32
        %dma_wait3A_58 = tpu.memref_slice %arg4[%add3A_23, %dma_wait3A_57] : memref<5120x128xi32, #tpu.memory_space<hbm>> -> memref<40x128xi32, #tpu.memory_space<hbm>>
        tpu.wait_dma2 semaphore(%run_scoped3A : memref<!tpu.dma_semaphore, #tpu.memory_space<semaphore_mem>>) src(%dma_wait3A_58 : memref<40x128xi32, #tpu.memory_space<hbm>>) dst(%arg8 : memref<40x128xi32, #tpu.memory_space<vmem>>)
        tpu.yield
      }) : () -> ()
      %dma_start3A = arith.constant 0 : i32
      %dma_start3A_24 = arith.constant 0 : i32
      %dma_start3A_25 = arith.constant 0 : i32
      %dma_start3A_26 = arith.constant 0 : i32
      %dma_start3A_27 = tpu.memref_slice %arg9[%dma_start3A_24, %dma_start3A_25, %dma_start3A_26] : memref<2x128x128xf32, #tpu.memory_space<vmem>> -> memref<1x128x128xf32, #tpu.memory_space<vmem>>
      %dma_start3A_28 = tpu.memref_squeeze %dma_start3A_27 : memref<1x128x128xf32, #tpu.memory_space<vmem>> -> memref<128x128xf32, #tpu.memory_space<vmem>>
      %dma_start3A_29 = arith.constant 0 : i32
      %dma_start3A_30 = tpu.memref_slice %arg7[%dma_start3A, %dma_start3A_29] : memref<40x128xi32, #tpu.memory_space<vmem>> -> memref<1x128xi32, #tpu.memory_space<vmem>>
      %dma_start3A_31 = tpu.memref_squeeze %dma_start3A_30 : memref<1x128xi32, #tpu.memory_space<vmem>> -> memref<128xi32, #tpu.memory_space<vmem>>
      %dma_start3A_32 = arith.constant 0 : i32
      %dma_start3A_33 = arith.constant 0 : i32
      %dma_start3A_34 = tpu.memref_slice %arg2[%dma_start3A_32, %dma_start3A_33] : memref<20000x128xf32, #tpu.memory_space<hbm>> -> memref<20000x128xf32, #tpu.memory_space<hbm>>
      tpu.enqueue_indirect_dma source(%dma_start3A_34 : memref<20000x128xf32, #tpu.memory_space<hbm>>) target(%dma_start3A_28 : memref<128x128xf32, #tpu.memory_space<vmem>>) offsets(%dma_start3A_31 : memref<128xi32, #tpu.memory_space<vmem>>) semaphore(%arg11 : memref<!tpu.dma_semaphore, #tpu.memory_space<semaphore_mem>>)
      %scan3A_35 = arith.constant 0 : i32
      %scan3A_36 = arith.constant 40 : i32
      %scan3A_37 = arith.addi %scan3A_35, %scan3A_36 : i32
      %scan3A_38 = arith.constant 1 : i32
      scf.for %scan3A_51 = %scan3A_35 to %scan3A_37 step %scan3A_38  : i32 {
        %rem3A = arith.constant 2 : i32
        %rem3A_52 = arith.remsi %scan3A_51, %rem3A : i32
        %dma_wait3A_53 = arith.constant 0 : i32
        %dma_wait3A_54 = arith.constant 0 : i32
        %dma_wait3A_55 = tpu.memref_slice %arg9[%rem3A_52, %dma_wait3A_53, %dma_wait3A_54] : memref<2x128x128xf32, #tpu.memory_space<vmem>> -> memref<1x128x128xf32, #tpu.memory_space<vmem>>
        %dma_wait3A_56 = tpu.memref_squeeze %dma_wait3A_55 : memref<1x128x128xf32, #tpu.memory_space<vmem>> -> memref<128x128xf32, #tpu.memory_space<vmem>>
        %dma_wait3A_57 = arith.constant 0 : i32
        %dma_wait3A_58 = tpu.memref_slice %arg7[%scan3A_51, %dma_wait3A_57] : memref<40x128xi32, #tpu.memory_space<vmem>> -> memref<1x128xi32, #tpu.memory_space<vmem>>
        %dma_wait3A_59 = tpu.memref_squeeze %dma_wait3A_58 : memref<1x128xi32, #tpu.memory_space<vmem>> -> memref<128xi32, #tpu.memory_space<vmem>>
        %dma_wait3A_60 = arith.constant 0 : i32
        %dma_wait3A_61 = arith.constant 0 : i32
        %dma_wait3A_62 = tpu.memref_slice %arg2[%dma_wait3A_60, %dma_wait3A_61] : memref<20000x128xf32, #tpu.memory_space<hbm>> -> memref<20000x128xf32, #tpu.memory_space<hbm>>
        tpu.wait_indirect_dma semaphore(%arg11 : memref<!tpu.dma_semaphore, #tpu.memory_space<semaphore_mem>>) src(%dma_wait3A_62 : memref<20000x128xf32, #tpu.memory_space<hbm>>) dst(%dma_wait3A_56 : memref<128x128xf32, #tpu.memory_space<vmem>>)
        %dma_start3A_63 = arith.constant 0 : i32
        %dma_start3A_64 = arith.constant 0 : i32
        %dma_start3A_65 = tpu.memref_slice %arg9[%rem3A_52, %dma_start3A_63, %dma_start3A_64] : memref<2x128x128xf32, #tpu.memory_space<vmem>> -> memref<1x128x128xf32, #tpu.memory_space<vmem>>
        %dma_start3A_66 = tpu.memref_squeeze %dma_start3A_65 : memref<1x128x128xf32, #tpu.memory_space<vmem>> -> memref<128x128xf32, #tpu.memory_space<vmem>>
        %dma_start3A_67 = arith.constant 0 : i32
        %dma_start3A_68 = tpu.memref_slice %arg8[%scan3A_51, %dma_start3A_67] : memref<40x128xi32, #tpu.memory_space<vmem>> -> memref<1x128xi32, #tpu.memory_space<vmem>>
        %dma_start3A_69 = tpu.memref_squeeze %dma_start3A_68 : memref<1x128xi32, #tpu.memory_space<vmem>> -> memref<128xi32, #tpu.memory_space<vmem>>
        %dma_start3A_70 = arith.constant 0 : i32
        %dma_start3A_71 = arith.constant 0 : i32
        %dma_start3A_72 = tpu.memref_slice %arg10[%dma_start3A_70, %dma_start3A_71] : memref<10112x128xf32, #tpu.memory_space<vmem_shared>> -> memref<10112x128xf32, #tpu.memory_space<vmem_shared>>
        tpu.enqueue_indirect_dma source(%dma_start3A_66 : memref<128x128xf32, #tpu.memory_space<vmem>>) target(%dma_start3A_72 : memref<10112x128xf32, #tpu.memory_space<vmem_shared>>) offsets(%dma_start3A_69 : memref<128xi32, #tpu.memory_space<vmem>>) semaphore(%arg12 : memref<!tpu.dma_semaphore, #tpu.memory_space<semaphore_mem>>) {add = true}
        %ge3A = arith.constant 1 : i32
        %ge3A_73 = arith.cmpi sge, %scan3A_51, %ge3A : i32
        %convert_element_type3A_74 = arith.extui %ge3A_73 : i1 to i32
        %cond3A_75 = arith.constant 0 : i32
        %cond3A_76 = arith.cmpi ne, %convert_element_type3A_74, %cond3A_75 : i32
        scf.if %cond3A_76 {
          %sub3A = arith.constant 1 : i32
          %sub3A_83 = arith.subi %sub3A, %rem3A_52 : i32
          %sub3A_84 = arith.constant 1 : i32
          %sub3A_85 = arith.subi %scan3A_51, %sub3A_84 : i32
          %dma_wait3A_86 = arith.constant 0 : i32
          %dma_wait3A_87 = arith.constant 0 : i32
          %dma_wait3A_88 = tpu.memref_slice %arg9[%sub3A_83, %dma_wait3A_86, %dma_wait3A_87] : memref<2x128x128xf32, #tpu.memory_space<vmem>> -> memref<1x128x128xf32, #tpu.memory_space<vmem>>
          %dma_wait3A_89 = tpu.memref_squeeze %dma_wait3A_88 : memref<1x128x128xf32, #tpu.memory_space<vmem>> -> memref<128x128xf32, #tpu.memory_space<vmem>>
          %dma_wait3A_90 = arith.constant 0 : i32
          %dma_wait3A_91 = tpu.memref_slice %arg8[%sub3A_85, %dma_wait3A_90] : memref<40x128xi32, #tpu.memory_space<vmem>> -> memref<1x128xi32, #tpu.memory_space<vmem>>
          %dma_wait3A_92 = tpu.memref_squeeze %dma_wait3A_91 : memref<1x128xi32, #tpu.memory_space<vmem>> -> memref<128xi32, #tpu.memory_space<vmem>>
          %dma_wait3A_93 = arith.constant 0 : i32
          %dma_wait3A_94 = arith.constant 0 : i32
          %dma_wait3A_95 = tpu.memref_slice %arg10[%dma_wait3A_93, %dma_wait3A_94] : memref<10112x128xf32, #tpu.memory_space<vmem_shared>> -> memref<10112x128xf32, #tpu.memory_space<vmem_shared>>
          tpu.wait_indirect_dma semaphore(%arg12 : memref<!tpu.dma_semaphore, #tpu.memory_space<semaphore_mem>>) src(%dma_wait3A_89 : memref<128x128xf32, #tpu.memory_space<vmem>>) dst(%dma_wait3A_95 : memref<10112x128xf32, #tpu.memory_space<vmem_shared>>)
        } else {
        }
        %add3A_77 = arith.constant 1 : i32
        %add3A_78 = arith.addi %scan3A_51, %add3A_77 : i32
        %lt3A = arith.constant 40 : i32
        %lt3A_79 = arith.cmpi slt, %add3A_78, %lt3A : i32
        %convert_element_type3A_80 = arith.extui %lt3A_79 : i1 to i32
        %cond3A_81 = arith.constant 0 : i32
        %cond3A_82 = arith.cmpi ne, %convert_element_type3A_80, %cond3A_81 : i32
        scf.if %cond3A_82 {
          %add3A_83 = arith.constant 1 : i32
          %add3A_84 = arith.addi %scan3A_51, %add3A_83 : i32
          %sub3A = arith.constant 1 : i32
          %sub3A_85 = arith.subi %sub3A, %rem3A_52 : i32
          %dma_start3A_86 = arith.constant 0 : i32
          %dma_start3A_87 = arith.constant 0 : i32
          %dma_start3A_88 = tpu.memref_slice %arg9[%sub3A_85, %dma_start3A_86, %dma_start3A_87] : memref<2x128x128xf32, #tpu.memory_space<vmem>> -> memref<1x128x128xf32, #tpu.memory_space<vmem>>
          %dma_start3A_89 = tpu.memref_squeeze %dma_start3A_88 : memref<1x128x128xf32, #tpu.memory_space<vmem>> -> memref<128x128xf32, #tpu.memory_space<vmem>>
          %dma_start3A_90 = arith.constant 0 : i32
          %dma_start3A_91 = tpu.memref_slice %arg7[%add3A_84, %dma_start3A_90] : memref<40x128xi32, #tpu.memory_space<vmem>> -> memref<1x128xi32, #tpu.memory_space<vmem>>
          %dma_start3A_92 = tpu.memref_squeeze %dma_start3A_91 : memref<1x128xi32, #tpu.memory_space<vmem>> -> memref<128xi32, #tpu.memory_space<vmem>>
          %dma_start3A_93 = arith.constant 0 : i32
          %dma_start3A_94 = arith.constant 0 : i32
          %dma_start3A_95 = tpu.memref_slice %arg2[%dma_start3A_93, %dma_start3A_94] : memref<20000x128xf32, #tpu.memory_space<hbm>> -> memref<20000x128xf32, #tpu.memory_space<hbm>>
          tpu.enqueue_indirect_dma source(%dma_start3A_95 : memref<20000x128xf32, #tpu.memory_space<hbm>>) target(%dma_start3A_89 : memref<128x128xf32, #tpu.memory_space<vmem>>) offsets(%dma_start3A_92 : memref<128xi32, #tpu.memory_space<vmem>>) semaphore(%arg11 : memref<!tpu.dma_semaphore, #tpu.memory_space<semaphore_mem>>)
        } else {
        }
      }
      %scan3A_39 = arith.constant 40 : i32
      %dma_wait3A = arith.constant 1 : i32
      %dma_wait3A_40 = arith.constant 39 : i32
      %dma_wait3A_41 = arith.constant 0 : i32
      %dma_wait3A_42 = arith.constant 0 : i32
      %dma_wait3A_43 = tpu.memref_slice %arg9[%dma_wait3A, %dma_wait3A_41, %dma_wait3A_42] : memref<2x128x128xf32, #tpu.memory_space<vmem>> -> memref<1x128x128xf32, #tpu.memory_space<vmem>>
      %dma_wait3A_44 = tpu.memref_squeeze %dma_wait3A_43 : memref<1x128x128xf32, #tpu.memory_space<vmem>> -> memref<128x128xf32, #tpu.memory_space<vmem>>
      %dma_wait3A_45 = arith.constant 0 : i32
      %dma_wait3A_46 = tpu.memref_slice %arg8[%dma_wait3A_40, %dma_wait3A_45] : memref<40x128xi32, #tpu.memory_space<vmem>> -> memref<1x128xi32, #tpu.memory_space<vmem>>
      %dma_wait3A_47 = tpu.memref_squeeze %dma_wait3A_46 : memref<1x128xi32, #tpu.memory_space<vmem>> -> memref<128xi32, #tpu.memory_space<vmem>>
      %dma_wait3A_48 = arith.constant 0 : i32
      %dma_wait3A_49 = arith.constant 0 : i32
      %dma_wait3A_50 = tpu.memref_slice %arg10[%dma_wait3A_48, %dma_wait3A_49] : memref<10112x128xf32, #tpu.memory_space<vmem_shared>> -> memref<10112x128xf32, #tpu.memory_space<vmem_shared>>
      tpu.wait_indirect_dma semaphore(%arg12 : memref<!tpu.dma_semaphore, #tpu.memory_space<semaphore_mem>>) src(%dma_wait3A_44 : memref<128x128xf32, #tpu.memory_space<vmem>>) dst(%dma_wait3A_50 : memref<10112x128xf32, #tpu.memory_space<vmem_shared>>)
    }
    %scan3A_8 = arith.constant 4 : i32
    %barrier3A_9 = arith.constant 0 : index
    tpu.barrier barrier_id(%barrier3A_9)
    %mul3A_10 = arith.constant 632 : i32
    %mul3A_11 = arith.muli %arg1, %mul3A_10 : i32
    %eq3A = arith.constant 0 : i32
    %eq3A_12 = arith.cmpi eq, %arg0, %eq3A : i32
    %eq3A_13 = arith.constant 15 : i32
    %eq3A_14 = arith.cmpi eq, %arg1, %eq3A_13 : i32
    %and3A = arith.andi %eq3A_12, %eq3A_14 : i1
    %convert_element_type3A = arith.extui %and3A : i1 to i32
    %cond3A = arith.constant 0 : i32
    %cond3A_15 = arith.cmpi ne, %convert_element_type3A, %cond3A : i32
    scf.if %cond3A_15 {
      "tpu.region"() ({
        %run_scoped3A = tpu.sem_alloc : memref<!tpu.dma_semaphore, #tpu.memory_space<semaphore_mem>>
        %dma_start3A = arith.constant 9480 : i32
        %dma_start3A_20 = arith.constant 0 : i32
        %dma_start3A_21 = tpu.memref_slice %arg6[%dma_start3A, %dma_start3A_20] : memref<20112x128xf32, #tpu.memory_space<hbm>> -> memref<520x128xf32, #tpu.memory_space<hbm>>
        %dma_start3A_22 = arith.constant 9480 : i32
        %dma_start3A_23 = arith.constant 0 : i32
        %dma_start3A_24 = tpu.memref_slice %arg10[%dma_start3A_22, %dma_start3A_23] : memref<10112x128xf32, #tpu.memory_space<vmem_shared>> -> memref<520x128xf32, #tpu.memory_space<vmem_shared>>
        tpu.enqueue_dma source(%dma_start3A_24 : memref<520x128xf32, #tpu.memory_space<vmem_shared>>) target(%dma_start3A_21 : memref<520x128xf32, #tpu.memory_space<hbm>>) target_semaphore(%run_scoped3A : memref<!tpu.dma_semaphore, #tpu.memory_space<semaphore_mem>>)
        %dma_wait3A = arith.constant 9480 : i32
        %dma_wait3A_25 = arith.constant 0 : i32
        %dma_wait3A_26 = tpu.memref_slice %arg6[%dma_wait3A, %dma_wait3A_25] : memref<20112x128xf32, #tpu.memory_space<hbm>> -> memref<520x128xf32, #tpu.memory_space<hbm>>
        %dma_wait3A_27 = arith.constant 9480 : i32
        %dma_wait3A_28 = arith.constant 0 : i32
        %dma_wait3A_29 = tpu.memref_slice %arg10[%dma_wait3A_27, %dma_wait3A_28] : memref<10112x128xf32, #tpu.memory_space<vmem_shared>> -> memref<520x128xf32, #tpu.memory_space<vmem_shared>>
        tpu.wait_dma2 semaphore(%run_scoped3A : memref<!tpu.dma_semaphore, #tpu.memory_space<semaphore_mem>>) src(%dma_wait3A_29 : memref<520x128xf32, #tpu.memory_space<vmem_shared>>) dst(%dma_wait3A_26 : memref<520x128xf32, #tpu.memory_space<hbm>>)
        tpu.yield
      }) : () -> ()
    } else {
    }
    %not3A = arith.constant true
    %not3A_16 = arith.xori %and3A, %not3A : i1
    %convert_element_type3A_17 = arith.extui %not3A_16 : i1 to i32
    %cond3A_18 = arith.constant 0 : i32
    %cond3A_19 = arith.cmpi ne, %convert_element_type3A_17, %cond3A_18 : i32
    scf.if %cond3A_19 {
      %mul3A_20 = arith.constant 10000 : i32
      %mul3A_21 = arith.muli %arg0, %mul3A_20 : i32
      %add3A_22 = arith.addi %mul3A_21, %mul3A_11 : i32
      "tpu.region"() ({
        %run_scoped3A = tpu.sem_alloc : memref<!tpu.dma_semaphore, #tpu.memory_space<semaphore_mem>>
        %dma_start3A = arith.constant 0 : i32
        %dma_start3A_23 = tpu.memref_slice %arg6[%add3A_22, %dma_start3A] : memref<20112x128xf32, #tpu.memory_space<hbm>> -> memref<632x128xf32, #tpu.memory_space<hbm>>
        %dma_start3A_24 = arith.constant 0 : i32
        %dma_start3A_25 = tpu.memref_slice %arg10[%mul3A_11, %dma_start3A_24] : memref<10112x128xf32, #tpu.memory_space<vmem_shared>> -> memref<632x128xf32, #tpu.memory_space<vmem_shared>>
        tpu.enqueue_dma source(%dma_start3A_25 : memref<632x128xf32, #tpu.memory_space<vmem_shared>>) target(%dma_start3A_23 : memref<632x128xf32, #tpu.memory_space<hbm>>) target_semaphore(%run_scoped3A : memref<!tpu.dma_semaphore, #tpu.memory_space<semaphore_mem>>)
        %dma_wait3A = arith.constant 0 : i32
        %dma_wait3A_26 = tpu.memref_slice %arg6[%add3A_22, %dma_wait3A] : memref<20112x128xf32, #tpu.memory_space<hbm>> -> memref<632x128xf32, #tpu.memory_space<hbm>>
        %dma_wait3A_27 = arith.constant 0 : i32
        %dma_wait3A_28 = tpu.memref_slice %arg10[%mul3A_11, %dma_wait3A_27] : memref<10112x128xf32, #tpu.memory_space<vmem_shared>> -> memref<632x128xf32, #tpu.memory_space<vmem_shared>>
        tpu.wait_dma2 semaphore(%run_scoped3A : memref<!tpu.dma_semaphore, #tpu.memory_space<semaphore_mem>>) src(%dma_wait3A_28 : memref<632x128xf32, #tpu.memory_space<vmem_shared>>) dst(%dma_wait3A_26 : memref<632x128xf32, #tpu.memory_space<hbm>>)
        tpu.yield
      }) : () -> ()
    } else {
    }
    return
  }
}

module attributes {stable_mosaic.version = 14 : i64} {
  func.func @_tc_prescale_body(%arg0: i32, %arg1: memref<2000x16xf32, #tpu.memory_space<vmem>>, %arg2: memref<2000x16xf32, #tpu.memory_space<vmem>>, %arg3: memref<2000x128xf32, #tpu.memory_space<vmem>>, %arg4: memref<2000x128xf32, #tpu.memory_space<vmem>>) attributes {dimension_semantics = [#tpu.dimension_semantics<arbitrary>], iteration_bounds = array<i64: 5>, scalar_prefetch = 0 : i64, scratch_operands = 0 : i64, tpu.core_type = #tpu.core_type<tc>, window_params = [{transform_indices = @transform_0, window_bounds = array<i64: 2000, 16>}, {transform_indices = @transform_1, window_bounds = array<i64: 2000, 16>}, {transform_indices = @transform_2, window_bounds = array<i64: 2000, 128>}, {transform_indices = @transform_3, window_bounds = array<i64: 2000, 128>}]} {
    %get3A = arith.constant 0 : index
    %get3A_0 = arith.constant 0 : index
    %get3A_1 = vector.load %arg1[%get3A, %get3A_0] : memref<2000x16xf32, #tpu.memory_space<vmem>>, vector<2000x1xf32>
    %get3A_2 = arith.constant 0 : index
    %get3A_3 = arith.constant 0 : index
    %get3A_4 = vector.load %arg2[%get3A_2, %get3A_3] : memref<2000x16xf32, #tpu.memory_space<vmem>>, vector<2000x1xf32>
    %add3A = arith.addf %get3A_1, %get3A_4 : vector<2000x1xf32>
    %add3A_5 = arith.constant 1.000000e+00 : f32
    %add3A_6 = vector.broadcast %add3A_5 : f32 to vector<2000x1xf32>
    %add3A_7 = arith.addf %add3A, %add3A_6 : vector<2000x1xf32>
    %rsqrt3A = math.rsqrt %add3A_7 : vector<2000x1xf32>
    %get3A_8 = arith.constant 0 : index
    %get3A_9 = arith.constant 0 : index
    %get3A_10 = vector.load %arg3[%get3A_8, %get3A_9] : memref<2000x128xf32, #tpu.memory_space<vmem>>, vector<2000x128xf32>
    %mul3A = vector.broadcast %rsqrt3A : vector<2000x1xf32> to vector<2000x128xf32>
    %mul3A_11 = arith.mulf %get3A_10, %mul3A : vector<2000x128xf32>
    %swap3A = arith.constant 0 : index
    %swap3A_12 = arith.constant 0 : index
    %swap3A_13 = vector.load %arg4[%swap3A, %swap3A_12] : memref<2000x128xf32, #tpu.memory_space<vmem>>, vector<2000x128xf32>
    tpu.vector_store %arg4[%swap3A, %swap3A_12], %mul3A_11 {strides = array<i32>} : memref<2000x128xf32, #tpu.memory_space<vmem>>, vector<2000x128xf32>,
    return
  }
  func.func @transform_0(%arg0: i32) -> (i32, i32) {
    %add3A = arith.constant 0 : i32
    %add3A_0 = arith.addi %add3A, %arg0 : i32
    %c0_i32 = arith.constant 0 : i32
    %c0_i32_1 = arith.constant 0 : i32
    return %add3A_0, %c0_i32 : i32, i32
  }
  func.func @transform_1(%arg0: i32) -> (i32, i32) {
    %add3A = arith.constant 5 : i32
    %add3A_0 = arith.addi %add3A, %arg0 : i32
    %c0_i32 = arith.constant 0 : i32
    %c0_i32_1 = arith.constant 0 : i32
    return %add3A_0, %c0_i32 : i32, i32
  }
  func.func @transform_2(%arg0: i32) -> (i32, i32) {
    %add3A = arith.constant 0 : i32
    %add3A_0 = arith.addi %add3A, %arg0 : i32
    %c0_i32 = arith.constant 0 : i32
    %c0_i32_1 = arith.constant 0 : i32
    return %add3A_0, %c0_i32 : i32, i32
  }
  func.func @transform_3(%arg0: i32) -> (i32, i32) {
    %add3A = arith.constant 0 : i32
    %add3A_0 = arith.addi %add3A, %arg0 : i32
    %c0_i32 = arith.constant 0 : i32
    %c0_i32_1 = arith.constant 0 : i32
    return %add3A_0, %c0_i32 : i32, i32
  }
}

module attributes {stable_mosaic.version = 14 : i64} {
  func.func @_tc_layer1_body(%arg0: i32, %arg1: memref<2000x16xf32, #tpu.memory_space<vmem>>, %arg2: memref<2000x16xf32, #tpu.memory_space<vmem>>, %arg3: memref<2000x128xf32, #tpu.memory_space<vmem>>, %arg4: memref<2000x128xf32, #tpu.memory_space<vmem>>, %arg5: memref<2000x128xf32, #tpu.memory_space<vmem>>, %arg6: memref<128x256xf32, #tpu.memory_space<vmem>>, %arg7: memref<1x256xf32, #tpu.memory_space<vmem>>, %arg8: memref<20000x128xf32, #tpu.memory_space<vmem>>) attributes {dimension_semantics = [#tpu.dimension_semantics<arbitrary>], iteration_bounds = array<i64: 5>, scalar_prefetch = 0 : i64, scratch_operands = 0 : i64, tpu.core_type = #tpu.core_type<tc>, window_params = [{transform_indices = @transform_0, window_bounds = array<i64: 2000, 16>}, {transform_indices = @transform_1, window_bounds = array<i64: 2000, 16>}, {transform_indices = @transform_2, window_bounds = array<i64: 2000, 128>}, {transform_indices = @transform_3, window_bounds = array<i64: 2000, 128>}, {transform_indices = @transform_4, window_bounds = array<i64: 2000, 128>}, {pipeline_mode = #tpu.pipeline_mode<synchronous>, transform_indices = @transform_5, window_bounds = array<i64: 128, 256>}, {pipeline_mode = #tpu.pipeline_mode<synchronous>, transform_indices = @transform_6, window_bounds = array<i64: 1, 256>}, {pipeline_mode = #tpu.pipeline_mode<synchronous>, transform_indices = @transform_7, window_bounds = array<i64: 20000, 128>}]} {
    %get3A = arith.constant 0 : index
    %get3A_0 = arith.constant 0 : index
    %get3A_1 = vector.load %arg1[%get3A, %get3A_0] : memref<2000x16xf32, #tpu.memory_space<vmem>>, vector<2000x1xf32>
    %get3A_2 = arith.constant 0 : index
    %get3A_3 = arith.constant 0 : index
    %get3A_4 = vector.load %arg2[%get3A_2, %get3A_3] : memref<2000x16xf32, #tpu.memory_space<vmem>>, vector<2000x1xf32>
    %add3A = arith.addf %get3A_1, %get3A_4 : vector<2000x1xf32>
    %add3A_5 = arith.constant 1.000000e+00 : f32
    %add3A_6 = vector.broadcast %add3A_5 : f32 to vector<2000x1xf32>
    %add3A_7 = arith.addf %add3A, %add3A_6 : vector<2000x1xf32>
    %rsqrt3A = math.rsqrt %add3A_7 : vector<2000x1xf32>
    %get3A_8 = arith.constant 0 : index
    %get3A_9 = arith.constant 0 : index
    %get3A_10 = vector.load %arg3[%get3A_8, %get3A_9] : memref<2000x128xf32, #tpu.memory_space<vmem>>, vector<2000x128xf32>
    %get3A_11 = arith.constant 0 : index
    %get3A_12 = arith.constant 0 : index
    %get3A_13 = vector.load %arg4[%get3A_11, %get3A_12] : memref<2000x128xf32, #tpu.memory_space<vmem>>, vector<2000x128xf32>
    %add3A_14 = arith.addf %get3A_10, %get3A_13 : vector<2000x128xf32>
    %get3A_15 = arith.constant 0 : index
    %get3A_16 = arith.constant 0 : index
    %get3A_17 = vector.load %arg5[%get3A_15, %get3A_16] : memref<2000x128xf32, #tpu.memory_space<vmem>>, vector<2000x128xf32>
    %add3A_18 = arith.addf %add3A_14, %get3A_17 : vector<2000x128xf32>
    %mul3A = vector.broadcast %rsqrt3A : vector<2000x1xf32> to vector<2000x128xf32>
    %mul3A_19 = arith.mulf %add3A_18, %mul3A : vector<2000x128xf32>
    %get3A_20 = arith.constant 0 : index
    %get3A_21 = arith.constant 0 : index
    %get3A_22 = vector.load %arg6[%get3A_20, %get3A_21] : memref<128x256xf32, #tpu.memory_space<vmem>>, vector<128x256xf32>
    %dot_general3A = arith.constant dense<0.000000e+00> : vector<2000x256xf32>
    %dot_general3A_23 = tpu.matmul %mul3A_19, %get3A_22, %dot_general3A {dimension_numbers = #tpu.dot_dimension_numbers<[1], [0], [0], [1], [0, 0, 1, 1], [], []>, transpose_lhs_hint = false} : vector<2000x128xf32>, vector<128x256xf32>, vector<2000x256xf32> -> vector<2000x256xf32>
    %get3A_24 = arith.constant 0 : index
    %get3A_25 = arith.constant 0 : index
    %get3A_26 = vector.load %arg7[%get3A_24, %get3A_25] : memref<1x256xf32, #tpu.memory_space<vmem>>, vector<1x256xf32>
    %add3A_27 = vector.broadcast %get3A_26 : vector<1x256xf32> to vector<2000x256xf32>
    %add3A_28 = arith.addf %dot_general3A_23, %add3A_27 : vector<2000x256xf32>
    %max3A = arith.constant 0.000000e+00 : f32
    %max3A_29 = vector.broadcast %max3A : f32 to vector<2000x256xf32>
    %max3A_30 = arith.maximumf %add3A_28, %max3A_29 : vector<2000x256xf32>
    %mul3A_31 = vector.broadcast %rsqrt3A : vector<2000x1xf32> to vector<2000x256xf32>
    %mul3A_32 = arith.mulf %max3A_30, %mul3A_31 : vector<2000x256xf32>
    %slice3A = vector.extract_strided_slice %mul3A_32 {offsets = [0, 0], sizes = [2000, 128], strides = [1, 1]} : vector<2000x256xf32> to vector<2000x128xf32>
    %mul3A_33 = arith.constant 2000 : i32
    %mul3A_34 = arith.muli %arg0, %mul3A_33 : i32
    %swap3A = arith.index_cast %mul3A_34 : i32 to index
    %swap3A_35 = arith.constant 0 : index
    %swap3A_36 = vector.load %arg8[%swap3A, %swap3A_35] : memref<20000x128xf32, #tpu.memory_space<vmem>>, vector<2000x128xf32>
    tpu.vector_store %arg8[%swap3A, %swap3A_35], %slice3A {strides = array<i32>} : memref<20000x128xf32, #tpu.memory_space<vmem>>, vector<2000x128xf32>,
    %slice3A_37 = vector.extract_strided_slice %mul3A_32 {offsets = [0, 128], sizes = [2000, 128], strides = [1, 1]} : vector<2000x256xf32> to vector<2000x128xf32>
    %mul3A_38 = arith.constant 2000 : i32
    %mul3A_39 = arith.muli %arg0, %mul3A_38 : i32
    %add3A_40 = arith.constant 10000 : i32
    %add3A_41 = arith.addi %add3A_40, %mul3A_39 : i32
    %swap3A_42 = arith.index_cast %add3A_41 : i32 to index
    %swap3A_43 = arith.constant 0 : index
    %swap3A_44 = vector.load %arg8[%swap3A_42, %swap3A_43] : memref<20000x128xf32, #tpu.memory_space<vmem>>, vector<2000x128xf32>
    tpu.vector_store %arg8[%swap3A_42, %swap3A_43], %slice3A_37 {strides = array<i32>} : memref<20000x128xf32, #tpu.memory_space<vmem>>, vector<2000x128xf32>,
    return
  }
  func.func @transform_0(%arg0: i32) -> (i32, i32) {
    %add3A = arith.constant 0 : i32
    %add3A_0 = arith.addi %add3A, %arg0 : i32
    %c0_i32 = arith.constant 0 : i32
    %c0_i32_1 = arith.constant 0 : i32
    return %add3A_0, %c0_i32 : i32, i32
  }
  func.func @transform_1(%arg0: i32) -> (i32, i32) {
    %add3A = arith.constant 5 : i32
    %add3A_0 = arith.addi %add3A, %arg0 : i32
    %c0_i32 = arith.constant 0 : i32
    %c0_i32_1 = arith.constant 0 : i32
    return %add3A_0, %c0_i32 : i32, i32
  }
  func.func @transform_2(%arg0: i32) -> (i32, i32) {
    %add3A = arith.constant 0 : i32
    %add3A_0 = arith.addi %add3A, %arg0 : i32
    %c0_i32 = arith.constant 0 : i32
    %c0_i32_1 = arith.constant 0 : i32
    return %add3A_0, %c0_i32 : i32, i32
  }
  func.func @transform_3(%arg0: i32) -> (i32, i32) {
    %add3A = arith.constant 5 : i32
    %add3A_0 = arith.addi %add3A, %arg0 : i32
    %c0_i32 = arith.constant 0 : i32
    %c0_i32_1 = arith.constant 0 : i32
    return %add3A_0, %c0_i32 : i32, i32
  }
  func.func @transform_4(%arg0: i32) -> (i32, i32) {
    %add3A = arith.constant 0 : i32
    %add3A_0 = arith.addi %add3A, %arg0 : i32
    %c0_i32 = arith.constant 0 : i32
    %c0_i32_1 = arith.constant 0 : i32
    return %add3A_0, %c0_i32 : i32, i32
  }
  func.func @transform_5(%arg0: i32) -> (i32, i32) {
    %c0_i32 = arith.constant 0 : i32
    %c0_i32_0 = arith.constant 0 : i32
    %c0_i32_1 = arith.constant 0 : i32
    return %c0_i32, %c0_i32_0 : i32, i32
  }
  func.func @transform_6(%arg0: i32) -> (i32, i32) {
    %c0_i32 = arith.constant 0 : i32
    %c0_i32_0 = arith.constant 0 : i32
    %c0_i32_1 = arith.constant 0 : i32
    return %c0_i32, %c0_i32_0 : i32, i32
  }
  func.func @transform_7(%arg0: i32) -> (i32, i32) {
    %c0_i32 = arith.constant 0 : i32
    %c0_i32_0 = arith.constant 0 : i32
    %c0_i32_1 = arith.constant 0 : i32
    return %c0_i32, %c0_i32_0 : i32, i32
  }
}

module attributes {stable_mosaic.version = 14 : i64} {
  func.func @_tc_layer2_body(%arg0: i32, %arg1: memref<2000x16xf32, #tpu.memory_space<vmem>>, %arg2: memref<2000x16xf32, #tpu.memory_space<vmem>>, %arg3: memref<2000x128xf32, #tpu.memory_space<vmem>>, %arg4: memref<2000x128xf32, #tpu.memory_space<vmem>>, %arg5: memref<2000x128xf32, #tpu.memory_space<vmem>>, %arg6: memref<2000x128xf32, #tpu.memory_space<vmem>>, %arg7: memref<256x256xf32, #tpu.memory_space<vmem>>, %arg8: memref<1x256xf32, #tpu.memory_space<vmem>>, %arg9: memref<256x40xf32, #tpu.memory_space<vmem>>, %arg10: memref<1x40xf32, #tpu.memory_space<vmem>>, %arg11: memref<2000x40xf32, #tpu.memory_space<vmem>>) attributes {dimension_semantics = [#tpu.dimension_semantics<arbitrary>], iteration_bounds = array<i64: 5>, scalar_prefetch = 0 : i64, scratch_operands = 0 : i64, tpu.core_type = #tpu.core_type<tc>, window_params = [{transform_indices = @transform_0, window_bounds = array<i64: 2000, 16>}, {transform_indices = @transform_1, window_bounds = array<i64: 2000, 16>}, {transform_indices = @transform_2, window_bounds = array<i64: 2000, 128>}, {transform_indices = @transform_3, window_bounds = array<i64: 2000, 128>}, {transform_indices = @transform_4, window_bounds = array<i64: 2000, 128>}, {transform_indices = @transform_5, window_bounds = array<i64: 2000, 128>}, {pipeline_mode = #tpu.pipeline_mode<synchronous>, transform_indices = @transform_6, window_bounds = array<i64: 256, 256>}, {pipeline_mode = #tpu.pipeline_mode<synchronous>, transform_indices = @transform_7, window_bounds = array<i64: 1, 256>}, {pipeline_mode = #tpu.pipeline_mode<synchronous>, transform_indices = @transform_8, window_bounds = array<i64: 256, 40>}, {pipeline_mode = #tpu.pipeline_mode<synchronous>, transform_indices = @transform_9, window_bounds = array<i64: 1, 40>}, {transform_indices = @transform_10, window_bounds = array<i64: 2000, 40>}]} {
    %get3A = arith.constant 0 : index
    %get3A_0 = arith.constant 0 : index
    %get3A_1 = vector.load %arg1[%get3A, %get3A_0] : memref<2000x16xf32, #tpu.memory_space<vmem>>, vector<2000x1xf32>
    %get3A_2 = arith.constant 0 : index
    %get3A_3 = arith.constant 0 : index
    %get3A_4 = vector.load %arg2[%get3A_2, %get3A_3] : memref<2000x16xf32, #tpu.memory_space<vmem>>, vector<2000x1xf32>
    %add3A = arith.addf %get3A_1, %get3A_4 : vector<2000x1xf32>
    %add3A_5 = arith.constant 1.000000e+00 : f32
    %add3A_6 = vector.broadcast %add3A_5 : f32 to vector<2000x1xf32>
    %add3A_7 = arith.addf %add3A, %add3A_6 : vector<2000x1xf32>
    %rsqrt3A = math.rsqrt %add3A_7 : vector<2000x1xf32>
    %get3A_8 = arith.constant 0 : index
    %get3A_9 = arith.constant 0 : index
    %get3A_10 = vector.load %arg3[%get3A_8, %get3A_9] : memref<2000x128xf32, #tpu.memory_space<vmem>>, vector<2000x128xf32>
    %get3A_11 = arith.constant 0 : index
    %get3A_12 = arith.constant 0 : index
    %get3A_13 = vector.load %arg5[%get3A_11, %get3A_12] : memref<2000x128xf32, #tpu.memory_space<vmem>>, vector<2000x128xf32>
    %add3A_14 = arith.addf %get3A_10, %get3A_13 : vector<2000x128xf32>
    %mul3A = vector.broadcast %rsqrt3A : vector<2000x1xf32> to vector<2000x128xf32>
    %mul3A_15 = arith.mulf %add3A_14, %mul3A : vector<2000x128xf32>
    %get3A_16 = arith.constant 0 : index
    %get3A_17 = arith.constant 0 : index
    %get3A_18 = vector.load %arg4[%get3A_16, %get3A_17] : memref<2000x128xf32, #tpu.memory_space<vmem>>, vector<2000x128xf32>
    %get3A_19 = arith.constant 0 : index
    %get3A_20 = arith.constant 0 : index
    %get3A_21 = vector.load %arg6[%get3A_19, %get3A_20] : memref<2000x128xf32, #tpu.memory_space<vmem>>, vector<2000x128xf32>
    %add3A_22 = arith.addf %get3A_18, %get3A_21 : vector<2000x128xf32>
    %mul3A_23 = vector.broadcast %rsqrt3A : vector<2000x1xf32> to vector<2000x128xf32>
    %mul3A_24 = arith.mulf %add3A_22, %mul3A_23 : vector<2000x128xf32>
    %concatenate3A = tpu.concatenate %mul3A_15, %mul3A_24 in 1 : vector<2000x128xf32>, vector<2000x128xf32> -> vector<2000x256xf32>
    %get3A_25 = arith.constant 0 : index
    %get3A_26 = arith.constant 0 : index
    %get3A_27 = vector.load %arg7[%get3A_25, %get3A_26] : memref<256x256xf32, #tpu.memory_space<vmem>>, vector<256x256xf32>
    %dot_general3A = arith.constant dense<0.000000e+00> : vector<2000x256xf32>
    %dot_general3A_28 = tpu.matmul %concatenate3A, %get3A_27, %dot_general3A {dimension_numbers = #tpu.dot_dimension_numbers<[1], [0], [0], [1], [0, 0, 1, 1], [], []>, transpose_lhs_hint = false} : vector<2000x256xf32>, vector<256x256xf32>, vector<2000x256xf32> -> vector<2000x256xf32>
    %get3A_29 = arith.constant 0 : index
    %get3A_30 = arith.constant 0 : index
    %get3A_31 = vector.load %arg8[%get3A_29, %get3A_30] : memref<1x256xf32, #tpu.memory_space<vmem>>, vector<1x256xf32>
    %add3A_32 = vector.broadcast %get3A_31 : vector<1x256xf32> to vector<2000x256xf32>
    %add3A_33 = arith.addf %dot_general3A_28, %add3A_32 : vector<2000x256xf32>
    %max3A = arith.constant 0.000000e+00 : f32
    %max3A_34 = vector.broadcast %max3A : f32 to vector<2000x256xf32>
    %max3A_35 = arith.maximumf %add3A_33, %max3A_34 : vector<2000x256xf32>
    %get3A_36 = arith.constant 0 : index
    %get3A_37 = arith.constant 0 : index
    %get3A_38 = vector.load %arg9[%get3A_36, %get3A_37] : memref<256x40xf32, #tpu.memory_space<vmem>>, vector<256x40xf32>
    %dot_general3A_39 = arith.constant dense<0.000000e+00> : vector<2000x40xf32>
    %dot_general3A_40 = tpu.matmul %max3A_35, %get3A_38, %dot_general3A_39 {dimension_numbers = #tpu.dot_dimension_numbers<[1], [0], [0], [1], [0, 0, 1, 1], [], []>, transpose_lhs_hint = false} : vector<2000x256xf32>, vector<256x40xf32>, vector<2000x40xf32> -> vector<2000x40xf32>
    %get3A_41 = arith.constant 0 : index
    %get3A_42 = arith.constant 0 : index
    %get3A_43 = vector.load %arg10[%get3A_41, %get3A_42] : memref<1x40xf32, #tpu.memory_space<vmem>>, vector<1x40xf32>
    %add3A_44 = vector.broadcast %get3A_43 : vector<1x40xf32> to vector<2000x40xf32>
    %add3A_45 = arith.addf %dot_general3A_40, %add3A_44 : vector<2000x40xf32>
    %reduce_max3A = arith.constant dense<0xFF800000> : vector<2000xf32>
    %reduce_max3A_46 = vector.multi_reduction <maximumf>, %add3A_45, %reduce_max3A [1] : vector<2000x40xf32> to vector<2000xf32>
    %broadcast_in_dim3A = vector.shape_cast %reduce_max3A_46 : vector<2000xf32> to vector<2000x1xf32>
    %sub3A = vector.broadcast %broadcast_in_dim3A : vector<2000x1xf32> to vector<2000x40xf32>
    %sub3A_47 = arith.subf %add3A_45, %sub3A : vector<2000x40xf32>
    %exp3A = math.exp %sub3A_47 : vector<2000x40xf32>
    %reduce_sum3A = arith.constant dense<0.000000e+00> : vector<2000xf32>
    %reduce_sum3A_48 = vector.multi_reduction <add>, %exp3A, %reduce_sum3A [1] : vector<2000x40xf32> to vector<2000xf32>
    %broadcast_in_dim3A_49 = vector.shape_cast %reduce_sum3A_48 : vector<2000xf32> to vector<2000x1xf32>
    %div3A = vector.broadcast %broadcast_in_dim3A_49 : vector<2000x1xf32> to vector<2000x40xf32>
    %div3A_50 = arith.divf %exp3A, %div3A : vector<2000x40xf32>
    %swap3A = arith.constant 0 : index
    %swap3A_51 = arith.constant 0 : index
    %swap3A_52 = vector.load %arg11[%swap3A, %swap3A_51] : memref<2000x40xf32, #tpu.memory_space<vmem>>, vector<2000x40xf32>
    tpu.vector_store %arg11[%swap3A, %swap3A_51], %div3A_50 {strides = array<i32>} : memref<2000x40xf32, #tpu.memory_space<vmem>>, vector<2000x40xf32>,
    return
  }
  func.func @transform_0(%arg0: i32) -> (i32, i32) {
    %add3A = arith.constant 0 : i32
    %add3A_0 = arith.addi %add3A, %arg0 : i32
    %c0_i32 = arith.constant 0 : i32
    %c0_i32_1 = arith.constant 0 : i32
    return %add3A_0, %c0_i32 : i32, i32
  }
  func.func @transform_1(%arg0: i32) -> (i32, i32) {
    %add3A = arith.constant 5 : i32
    %add3A_0 = arith.addi %add3A, %arg0 : i32
    %c0_i32 = arith.constant 0 : i32
    %c0_i32_1 = arith.constant 0 : i32
    return %add3A_0, %c0_i32 : i32, i32
  }
  func.func @transform_2(%arg0: i32) -> (i32, i32) {
    %add3A = arith.constant 0 : i32
    %add3A_0 = arith.addi %add3A, %arg0 : i32
    %c0_i32 = arith.constant 0 : i32
    %c0_i32_1 = arith.constant 0 : i32
    return %add3A_0, %c0_i32 : i32, i32
  }
  func.func @transform_3(%arg0: i32) -> (i32, i32) {
    %add3A = arith.constant 5 : i32
    %add3A_0 = arith.addi %add3A, %arg0 : i32
    %c0_i32 = arith.constant 0 : i32
    %c0_i32_1 = arith.constant 0 : i32
    return %add3A_0, %c0_i32 : i32, i32
  }
  func.func @transform_4(%arg0: i32) -> (i32, i32) {
    %add3A = arith.constant 0 : i32
    %add3A_0 = arith.addi %add3A, %arg0 : i32
    %c0_i32 = arith.constant 0 : i32
    %c0_i32_1 = arith.constant 0 : i32
    return %add3A_0, %c0_i32 : i32, i32
  }
  func.func @transform_5(%arg0: i32) -> (i32, i32) {
    %add3A = arith.constant 5 : i32
    %add3A_0 = arith.addi %add3A, %arg0 : i32
    %c0_i32 = arith.constant 0 : i32
    %c0_i32_1 = arith.constant 0 : i32
    return %add3A_0, %c0_i32 : i32, i32
  }
  func.func @transform_6(%arg0: i32) -> (i32, i32) {
    %c0_i32 = arith.constant 0 : i32
    %c0_i32_0 = arith.constant 0 : i32
    %c0_i32_1 = arith.constant 0 : i32
    return %c0_i32, %c0_i32_0 : i32, i32
  }
  func.func @transform_7(%arg0: i32) -> (i32, i32) {
    %c0_i32 = arith.constant 0 : i32
    %c0_i32_0 = arith.constant 0 : i32
    %c0_i32_1 = arith.constant 0 : i32
    return %c0_i32, %c0_i32_0 : i32, i32
  }
  func.func @transform_8(%arg0: i32) -> (i32, i32) {
    %c0_i32 = arith.constant 0 : i32
    %c0_i32_0 = arith.constant 0 : i32
    %c0_i32_1 = arith.constant 0 : i32
    return %c0_i32, %c0_i32_0 : i32, i32
  }
  func.func @transform_9(%arg0: i32) -> (i32, i32) {
    %c0_i32 = arith.constant 0 : i32
    %c0_i32_0 = arith.constant 0 : i32
    %c0_i32_1 = arith.constant 0 : i32
    return %c0_i32, %c0_i32_0 : i32, i32
  }
  func.func @transform_10(%arg0: i32) -> (i32, i32) {
    %c0_i32 = arith.constant 0 : i32
    %c0_i32_0 = arith.constant 0 : i32
    return %arg0, %c0_i32 : i32, i32
  }
}

</mosaic_0001>

<sc_bundles>
// kernel: kernel.11.cloned.1.call-start
scs
__scs_entry_jumppad:
0x0: {  	(pc) =	sbr.rel $0x88, $3  }
0x1: {  	(tag) =	ssettag $0x0;
	lr =	simm.s32 $0x1  }
0x2: {  	[smem:$0x3F99] =	sst lr;
	_ =	strace $0xD0000000  }
0x3: {  	_ = 	snop  }
0x4: {  	_ = 	snop  }
0x5: {  	_ = 	snop  }
0x6: {  	_ = 	snop  }
0x7: {  	_ = 	snop  }
__scs_overlays_trampoline_lowered:
0x8: {  	[smem:$0x3FA8] =	sst s0  }
0x9: {  	[smem:$0x3FA9] =	sst s1  }
0xa: {  	[smem:$0x3FAA] =	sst s2  }
0xb: {  	[smem:$0x3FAB] =	sst s3  }
0xc: {  	[smem:$0x3FAC] =	sst s4  }
0xd: {  	[smem:$0x3FAD] =	sst s5  }
0xe: {  	[smem:$0x3FAE] =	sst s6  }
0xf: {  	[smem:$0x3FAF] =	sst s7  }
0x10: {  	[smem:$0x3FB0] =	sst s8  }
0x11: {  	[smem:$0x3FB1] =	sst s9;
	s0 =	simm.s32 @!p0 $0x0  }
0x12: {  	s1 =	sld [smem:$0x3F97];
	s0 =	simm.s32 @p0 $0x1  }
0x13: {  	[smem:$0x3FB2] =	sst s0;
	s0 =	simm.s32 @!p1 $0x0  }
0x14: {  	s2 =	sld [smem:$0x3F96];
	s0 =	simm.s32 @p1 $0x1  }
0x15: {  	[smem:$0x3FB3] =	sst s0;
	s0 =	simm.s32 @!p2 $0x0  }
0x16: {  	s3 =	sld [smem:$0x3FDB];
	s0 =	simm.s32 @p2 $0x1  }
0x17: {  	s4 =	simm.s32 $0x1BF5;
	[smem:$0x3FB5] =	sst s0  }
0x18: {  	s0 =	sld [smem:$0x3F98];
	_ =	swait.ge [sflag:s4], $0x0  }
0x19: {  	s7 =	sld [smem:$0x3F99]  }
0x1a: {  	s8 =	sadd.s32 $0xFFFFE003, lr  }
0x1b: {  	s9 =	sadd.s32 $0xFFFFFEF7, lr;
	s5 =	simm.s32 $0xFFFFFFFF;
	p2 =	slt.u32 s8, $0xFFFFF086  }
0x1c: {  	p1 =	slt.u32 s9, $0xF7A;
	s5 =	simm.s32 @!p2 $0x0  }
0x1d: {  	s5 =	simm.s32 @p1 $0x1;
	p0 =	seq.s32 s7, s2  }
0x1e: {  	s7 =	smul.u32 @!p0 $0xF7A, s2;
	p2 =	seq.s32 @!p0 s5, $0x0  }
0x1f: {  	s9 =	smul.u32 $0xF7A, s1;
	s8 =	simm.s32 @!p0 $0x1BF5;
	p2 =	por !p2, p0  }
0x20: {  	[sflag:s8] =	ssyncset.s32 @!p0 $0xFFFFF086;
	s6 =	sadd.s32 @!p0 s3, s7;
	s7 =	simm.s32 @!p0 $0x108  }
0x21: {  	s3 =	sadd.s32 s3, s9;
	s6 =	sadd.s32 @!p0 $0x88, s6;
	s7 =	simm.s32 @p2 $0x1082  }
0x22: {  	[simem:s7], [sflag:s8] =	dma.local @!p0 [hbm:s6], $0xF7A  }
0x23: {  	s9 =	sor.u32 $0xD0000000, s2;
	s6 =	simm.s32 $0x108;
	_ =	swait.ge @!p0 [sflag:s8], $0x0  }
0x24: {  	s3 =	sadd.s32 $0x88, s3;
	s6 =	simm.s32 @!p1 $0x1082;
	[sflag:s4] =	ssyncset.s32 $0xFFFFF086  }
0x25: {  	[simem:s6], [sflag:s4] =	dma.local [hbm:s3], $0xF7A  }
0x26: {  	[smem:$0x3F99] =	sst s1;
	(tag) =	ssettag s2;
	_ =	strace s9  }
0x27: {  	s1 =	sld [smem:$0x3FA9]  }
0x28: {  	s2 =	sld [smem:$0x3FAA]  }
0x29: {  	s4 =	sld [smem:$0x3FAC]  }
0x2a: {  	p0 =	seq.s32 s5, $0x0;
	s5 =	sld [smem:$0x3FAD]  }
0x2b: {  	s6 =	sld [smem:$0x3FAE]  }
0x2c: {  	s7 =	sld [smem:$0x3FAF]  }
0x2d: {  	s3 =	simm.s32 $0x108;
	s8 =	sld [smem:$0x3FB0]  }
0x2e: {  	s3 =	simm.s32 @!p0 $0x1082;
	s9 =	sld [smem:$0x3FB1]  }
0x2f: {  	lr =	sadd.s32 s0, s3;
	s0 =	sld [smem:$0x3FA8]  }
0x30: {  	s3 =	sld [smem:$0x3FAB]  }
0x31: {  	[smem:$0x3FB4] =	sst s10  }
0x32: {  	s10 =	sld [smem:$0x3FB2];
	_ =	sdelay $0x3  }
0x33: {  	p0 =	seq.s32 s10, $0x1;
	s10 =	sld [smem:$0x3FB4];
	_ =	sdelay $0x3  }
0x34: {  	[smem:$0x3FB4] =	sst s10  }
0x35: {  	s10 =	sld [smem:$0x3FB3];
	_ =	sdelay $0x3  }
0x36: {  	p1 =	seq.s32 s10, $0x1;
	s10 =	sld [smem:$0x3FB4];
	_ =	sdelay $0x3  }
0x37: {  	[smem:$0x3FB4] =	sst s10  }
0x38: {  	s10 =	sld [smem:$0x3FB5]  }
0x39: {  	_ = 	snop;
	(pc) =	sbr.ind lr, $3  }
0x3a: {  	_ = 	snop  }
0x3b: {  	_ = 	snop  }
0x3c: {  	p2 =	seq.s32 s10, $0x1;
	s10 =	sld [smem:$0x3FB4]  }
0x3d: {  	_ =	shalt  }
0x3e: {  	_ =	shalt  }
0x3f: {  	_ =	shalt  }
0x40: {  	_ =	shalt  }
0x41: {  	_ =	shalt  }
0x42: {  	_ =	shalt  }
0x43: {  	_ =	shalt  }
0x44: {  	_ =	shalt  }
0x45: {  	_ =	shalt  }
0x46: {  	_ =	shalt  }
0x47: {  	_ =	shalt  }
0x48: {  	_ =	shalt  }
0x49: {  	_ =	shalt  }
0x4a: {  	_ =	shalt  }
0x4b: {  	_ =	shalt  }
0x4c: {  	_ =	shalt  }
0x4d: {  	_ =	shalt  }
0x4e: {  	_ =	shalt  }
0x4f: {  	_ =	shalt  }
0x50: {  	_ =	shalt  }
0x51: {  	_ =	shalt  }
0x52: {  	_ =	shalt  }
0x53: {  	_ =	shalt  }
0x54: {  	_ =	shalt  }
0x55: {  	_ =	shalt  }
0x56: {  	_ =	shalt  }
0x57: {  	_ =	shalt  }
0x58: {  	_ =	shalt  }
0x59: {  	_ =	shalt  }
0x5a: {  	_ =	shalt  }
0x5b: {  	_ =	shalt  }
0x5c: {  	_ =	shalt  }
0x5d: {  	_ =	shalt  }
0x5e: {  	_ =	shalt  }
0x5f: {  	_ =	shalt  }
0x60: {  	_ =	shalt  }
0x61: {  	_ =	shalt  }
0x62: {  	_ =	shalt  }
0x63: {  	_ =	shalt  }
0x64: {  	_ =	shalt  }
0x65: {  	_ =	shalt  }
0x66: {  	_ =	shalt  }
0x67: {  	_ =	shalt  }
0x68: {  	_ =	shalt  }
0x69: {  	_ =	shalt  }
0x6a: {  	_ =	shalt  }
0x6b: {  	_ =	shalt  }
0x6c: {  	_ =	shalt  }
0x6d: {  	_ =	shalt  }
0x6e: {  	_ =	shalt  }
0x6f: {  	_ =	shalt  }
0x70: {  	_ =	shalt  }
0x71: {  	_ =	shalt  }
0x72: {  	_ =	shalt  }
0x73: {  	_ =	shalt  }
0x74: {  	_ =	shalt  }
0x75: {  	_ =	shalt  }
0x76: {  	_ =	shalt  }
0x77: {  	_ =	shalt  }
0x78: {  	_ =	shalt  }
0x79: {  	_ =	shalt  }
0x7a: {  	_ =	shalt  }
0x7b: {  	_ =	shalt  }
0x7c: {  	_ =	shalt  }
0x7d: {  	_ =	shalt  }
0x7e: {  	_ =	shalt  }
0x7f: {  	_ =	shalt  }
0x80: {  	_ =	shalt  }
0x81: {  	_ =	shalt  }
0x82: {  	_ =	shalt  }
0x83: {  	_ =	shalt  }
0x84: {  	_ =	shalt  }
0x85: {  	_ =	shalt  }
0x86: {  	_ =	shalt  }
0x87: {  	_ =	shalt  }
.Lfunc_end0:
.L_simem_size_0:
called_computation.1_lowered:
.L_overlay_start_0:
0x88: {  	s2 =	sld [smem:$0x3FD9]  }
0x89: {  	s3 =	sld [smem:$0x3FFE];
	_ =	sdelay $0x1  }
0x8a: {  	s1 =	srdreg.scid  }
0x8b: {  	s0 =	sand.u32 $0x1, s1  }
0x8c: {  	s16 =	sshll.u32 s0, $0xA;
	s2 =	sadd.s32 s3, s2  }
0x8d: {  	s2 =	sadd.s32 s2, s16  }
0x8e: {  	[smem:$0x3FC0] =	sst s2  }
0x8f: {  	_ = 	snop  }
0x90: {  	(tm) =	ssettm $0x1  }
0x91: {  	s17 =	sld [smem:$0x3FFB];
	_ =	sdelay $0x3  }
0x92: {  	_ =	strace s17  }
0x93: {  	s2 =	sld [smem:$0x3FFC];
	_ =	sdelay $0x3  }
0x94: {  	_ =	strace s2  }
0x95: {  	s2 =	sld [smem:$0x3FFD];
	_ =	sdelay $0x3  }
0x96: {  	_ =	strace s2  }
0x97: {  	_ =	strace $0x8FFFFFFF  }
0x98: {  	s18 =	sld [smem:$0x3FDB];
	_ =	sdelay $0x1  }
0x99: {  	s19 =	simm.s32 $_scs_section_size  }
0x9a: {  	s4 =	simm.s32 $_size__tile_overlayer_lowered;
	s5 =	simm.s32 $_tile_overlayer_lowered  }
0x9b: {  	s22 =	simm.s32 $0x1BFF;
	s21 =	sshll.u32 s5, $0x1;
	s2 =	sadd.s32 s19, s18  }
0x9c: {  	s6 =	simm.s32 $0x0;
	s20 =	sshll.u32 s4, $0x1;
	s4 =	sadd.s32 s21, s2  }
0x9d: {  	[timem:s6], [sflag:s22] =	dma.local [hbm:s4], s20  }
0x9e: {  	_ =	swait.ge [sflag:s22], s20  }
0x9f: {  	s3 =	ssub.s32 $0x0, s20;
	[sflag:s22] =	ssyncset.done $0x0  }
0xa0: {  	[sflag:s22] =	ssyncadd.s32 s3;
	_ =	sdelay $0x1  }
0xa1: {  	s23 =	simm.s32 $0x1B8B  }
0xa2: {  	_ =	swait.ge [sflag:s23], $0x1  }
0xa3: {  	[sflag:s23] =	ssyncset.done $0x0  }
0xa4: {  	s25 =	simm.s32 $0x1B8E;
	s24 =	sld [smem:$0x3FFE];
	[sflag:s23] =	ssyncadd.s32 $0xFFFFFFFF  }
0xa5: {  	s26 =	simm.s32 $execute0_lowered;
	[smem:$0x3FD2] =	sst s25  }
0xa6: {  	s4 =	sshll.u32 s26, $0x1;
	_ =	strace $0x80000049;
	[dreg:$0x1] =	wrdreg $0xFFFFFFFF  }
0xa7: {  	s28 =	simm.s32 $_size_execute0_lowered;
	s2 =	sadd.s32 s2, s4;
	[dreg:$0x0] =	wrdreg $0x0  }
0xa8: {  	s4 =	sshll.u32 s28, $0x1;
	[dreg:$0x2] =	wrdreg s2  }
0xa9: {  	[dreg:$0x3] =	wrdreg s4  }
0xaa: {  	[dreg:$0x4] =	wrdreg $0xC0  }
0xab: {  	_ =	task [dreg:s6], $0x5FFFF  }
0xac: {  	[dreg:$0x1] =	wrdreg $0xFFFFFFFF  }
0xad: {  	[dreg:$0x0] =	wrdreg $0x60  }
0xae: {  	[dreg:$0x2] =	wrdreg s24  }
0xaf: {  	[dreg:$0x3] =	wrdreg $0xA8000  }
0xb0: {  	[dreg:$0x4] =	wrdreg $0x9  }
0xb1: {  	_ =	task.clear_ibuf [dreg:s6], $0x5FFFF;
	_ =	strace $0x90000049  }
0xb2: {  	s29 =	simm.s32 $0x9;
	_ =	strace $0x8000004B  }
0xb3: {  	_ =	swait.ge [sflag:s29], $0x1  }
0xb4: {  	[sflag:s29] =	ssyncadd.s32 $0xFFFFFFFF  }
0xb5: {  	_ =	strace $0x9000004B  }
0xb6: {  	_ =	sfence  }
0xb7: {  	s30 =	sld [smem:$0x0];
	_ =	sdelay $0x2  }
0xb8: {  	s31 =	sshll.u32 s1, $0xD;
	s1 =	sshrl.u32 s1, $0x2  }
0xb9: {  	s3 =	sand.u32 $0x4000, s31;
	s1 =	sadd.s32 s1, s30  }
0xba: {  	s0 =	sor.u32 s3, s0;
	s1 =	sshll.u32 s1, $0x11  }
0xbb: {  	s0 =	sor.u32 s1, s0  }
0xbc: {  	s0 =	sadd.s32 $0x8F2B, s0  }
0xbd: {  	[sflag:s0] =	ssyncadd.remote.s32 $0x1  }
0xbe: {  	_ =	sfence.sel $0xFFFF  }
0xbf: {  	[dreg:$0x0] =	wrdreg $0xFFFFFFFF;
	(pc) =	sbr.abs _section_cstart, $3  }
0xc0: {  	[dreg:$0x1] =	wrdreg $0xFFFFFFFF  }
0xc1: {  	_ =	task.clear_ibuf [dreg:s6], $0x2FFFF;
	_ =	strace $0x9FFFFFFF  }
0xc2: {  	(tm) =	ssettm $0x7FFFFFFF  }
0xc3: {  	_ =	shalt  }
tec
execute0_lowered:
.L_overlay_start_1:
0x0: {  	(tag) =	ssettag $0x1  }
0x1: {  	s8 =	rddreg [dreg:$0x0]  }
0x2: {  	s2 =	rddreg [dreg:$0x1]  }
0x3: {  	s0 =	rddreg [dreg:$0x2];
	s3 =	simm.s32 $0x0;
	s1 =	stileid.u32  }
0x4: {  	s4 =	srdreg.scid;
	s17 =	simm.s32 $0x2800;
	s18 =	simm.s32 $0x1  }
0x5: {  	s19 =	simm.s32 $0x80;
	s20 =	simm.s32 $0x2;
	s22 =	simm.s32 $0x0  }
0x6: {  	[smem:$0x7FF] =	sst s3;
	s5 =	smul.u32 $0x2780, s1;
	s9 =	sand.u32 $0x1, s4  }
0x7: {  	s4 =	sadd.s32 $0x74E00, s8;
	s13 =	sadd.s32 $0x1C400, s8;
	s14 =	sadd.s32 $0x12400, s8  }
0x8: {  	s10 =	smul.u32 $0x4F000, s1;
	s29 =	sshll.u32 s1, $0x6;
	s21 =	sadd.s32 $0x128400, s2  }
0x9: {  	p1 =	sne.s32 s1, $0xF;
	_ =	strace $0x8000004A;
	s6 =	smul.u32 $0x27100, s9  }
0xa: {  	s7 =	ssub.s32 $0x2, s9;
	s28 =	sshll.u32 s9, $0x4;
	p0 =	seq.s32 s9, $0x1  }
0xb: {  	s11 =	sadd.s32 s5, s8;
	s25 =	sshrl.u32 s7, $0x1;
	s26 =	sshrl.u32 s10, $0x2  }
0xc: {  	s30 =	sor.u32 s1, s28;
	p0 =	por p1, p0;
	s5 =	sadd.s32 s5, s6  }
0xd: {  	s15 =	ssub.s32 s7, s25;
	s6 =	sadd.s32 $0x9C000, s11;
	s16 =	smul.u32 $0x500, s30  }
.Ltmp0:
0xe: {  	s7 =	sor.u32 $0x1C03, s29;
	s21 =	sshrl.u32 @!p0 s21, $0x3;
	(pc) =	sbr.rel .LBB2_1-.Ltmp0, $4  }
0xf: {  	s12 =	sadd.s32 s5, s8;
	s5 =	sadd.s32 s26, s2;
	s8 =	sadd.s32 $0xE8880, s8  }
0x10: {  	s10 =	smax.u32 s15, $0x1;
	s9 =	sadd.s32 $0xC3800, s12;
	s31 =	sadd.s32 $0x280, s16  }
0x11: {  	s11 =	sadd.s32 s13, s16;
	s12 =	sadd.s32 s14, s16;
	s15 =	sshrl.u32 s5, $0x3  }
0x12: {  	s16 =	simm.s32 $0x3;
	s13 =	sadd.s32 s13, s31;
	s14 =	sadd.s32 s14, s31  }
.LBB2_7:
0x13: {  	_ =	swait.ge [sflag:s20], $0x4000  }
0x14: {  	[sflag:s20] =	ssyncset.done $0x0  }
0x15: {  	[sflag:s20] =	ssyncadd.s32 $0xFFFFC000  }
0x16: {  	s23 =	sshrl.u32 @p0 s5, $0x3;
	[bflag:$0x0] =	sbarrier.arrive $0xFFFF  }
0x17: {  	[hbm:s9], [sflag:s7] =	dma.local @p0 [spmem:s23], $0x2780  }
0x18: {  	s23 =	simm.s32 @p0 $0x3  }
0x19: {  	s22 =	sadd.s32 $0x1, s22;
	_ =	swait.ge @p0 [sflag:s23], $0x2780  }
0x1a: {  	p1 =	sne.s32 s22, s10;
	[sflag:s23] =	ssyncset.done @p0 $0x0  }
.Ltmp1:
0x1b: {  	[sflag:s23] =	ssyncadd.s32 @p0 $0xFFFFD880;
	s23 =	simm.s32 @!p0 $0x3;
	(pc) =	sbr.rel @!p1 .LBB2_8-.Ltmp1, $4  }
0x1c: {  	[hbm:s8], [sflag:s7] =	dma.local @!p0 [spmem:s21], $0x2080  }
0x1d: {  	_ =	swait.ge @!p0 [sflag:s23], $0x2080  }
0x1e: {  	[sflag:s23] =	ssyncset.done @!p0 $0x0  }
0x1f: {  	[sflag:s23] =	ssyncadd.s32 @!p0 $0xFFFFDF80  }
.LBB2_1:
0x20: {  	[spmem:s15], [sflag:s7] =	dma.local [hbm:s6], $0x2780  }
0x21: {  	_ =	swait.ge [sflag:s16], $0x2780  }
0x22: {  	[sflag:s16] =	ssyncset.done $0x0  }
0x23: {  	[sflag:s16] =	ssyncadd.s32 $0xFFFFD880  }
0x24: {  	[bflag:$0x0] =	sbarrier.arrive $0xFFFF  }
0x25: {  	[tilespmem:s3], [sflag:$0x3] =	stream.linear.gather [hbm4b:s11+s3], $0x1400, $0x38;
	[tilespmem:$0x1E400] =	vst v63  }
0x26: {  	_ =	swait.ge [sflag:s16], $0x1400  }
0x27: {  	[sflag:s16] =	ssyncset.done $0x0  }
0x28: {  	s23 =	simm.s32 $0x1400;
	[sflag:s16] =	ssyncadd.s32 $0xFFFFEC00  }
0x29: {  	[tilespmem:s23], [sflag:$0x3] =	stream.linear.gather [hbm4b:s12+s3], $0x1400, $0x38;
	[tilespmem:$0x1E400] =	vst v63  }
0x2a: {  	_ =	swait.ge [sflag:s16], $0x1400  }
0x2b: {  	[sflag:s16] =	ssyncset.done $0x0  }
0x2c: {  	s24 =	simm.s32 $0x0;
	s25 =	simm.s32 $0x80;
	[sflag:s16] =	ssyncadd.s32 $0xFFFFEC00  }
0x2d: {  	[tilespmem:s17], [sflag:$0x1] =	stream.indirect.gather [hbm4b:s4+s19], $0x80, s3, s19, $0xb8;
	[tilespmem:$0x1E400] =	vst v63  }
.LBB2_2:
0x2e: {  	s26 =	sand.u32 $0x1, s24;
	_ =	swait.ge [sflag:s18], $0x4000;
	p1 =	seq.s32 s24, $0x0  }
0x2f: {  	s26 =	sshll.u32 s26, $0xE;
	[sflag:s18] =	ssyncset.done $0x0;
	p2 =	seq.s32 @!p1 s24, $0x27  }
0x30: {  	s28 =	sor.u32 $0x2800, s26;
	[sflag:s18] =	ssyncadd.s32 $0xFFFFC000;
	p2 =	por p1, !p2  }
0x31: {  	[spmem:s2] =	stream.indirect.scatter.add.f32 [tilespmem:s28], [sflag:$0x2], $0x80, s23, s19, $0xb8;
	[tilespmem:$0x1E400] =	vst v63  }
.Ltmp2:
0x32: {  	_ = 	snop;
	(pc) =	sbr.rel @!p2 .LBB2_4-.Ltmp2, $4  }
0x33: {  	s28 =	simm.s32 @!p1 $0x2  }
0x34: {  	_ =	swait.ge @!p1 [sflag:s28], $0x4000  }
0x35: {  	[sflag:s28] =	ssyncset.done @!p1 $0x0  }
0x36: {  	[sflag:s28] =	ssyncadd.s32 @!p1 $0xFFFFC000  }
.Ltmp3:
0x37: {  	(pc) =	sbr.rel .LBB2_2-.Ltmp3, $4  }
0x38: {  	_ = 	snop  }
0x39: {  	s26 =	sxor.u32 $0x6800, s26  }
0x3a: {  	[tilespmem:s26], [sflag:$0x1] =	stream.indirect.gather [hbm4b:s4+s19], $0x80, s25, s19, $0xb8;
	[tilespmem:$0x1E400] =	vst v63  }
0x3b: {  	s24 =	sadd.s32 $0x1, s24;
	s23 =	sadd.s32 $0x80, s23;
	s25 =	sadd.s32 $0x80, s25  }
.LBB2_4:
0x3c: {  	_ =	swait.ge [sflag:s20], $0x4000  }
0x3d: {  	[sflag:s20] =	ssyncset.done $0x0  }
0x3e: {  	s23 =	simm.s32 $0x0;
	[sflag:s20] =	ssyncadd.s32 $0xFFFFC000  }
0x3f: {  	[tilespmem:s23], [sflag:$0x3] =	stream.linear.gather [hbm4b:s13+s23], $0x1400, $0x38;
	[tilespmem:$0x1E400] =	vst v63  }
0x40: {  	_ =	swait.ge [sflag:s16], $0x1400  }
0x41: {  	[sflag:s16] =	ssyncset.done $0x0  }
0x42: {  	s24 =	simm.s32 $0x1400;
	[sflag:s16] =	ssyncadd.s32 $0xFFFFEC00  }
0x43: {  	[tilespmem:s24], [sflag:$0x3] =	stream.linear.gather [hbm4b:s14+s23], $0x1400, $0x38;
	[tilespmem:$0x1E400] =	vst v63  }
0x44: {  	_ =	swait.ge [sflag:s16], $0x1400  }
0x45: {  	[sflag:s16] =	ssyncset.done $0x0  }
0x46: {  	s25 =	simm.s32 $0x80;
	[sflag:s16] =	ssyncadd.s32 $0xFFFFEC00  }
0x47: {  	[tilespmem:s17], [sflag:$0x1] =	stream.indirect.gather [hbm4b:s4+s25], $0x80, s23, s25, $0xb8;
	[tilespmem:$0x1E400] =	vst v63  }
.LBB2_5:
0x48: {  	s26 =	sand.u32 $0x1, s23;
	_ =	swait.ge [sflag:s18], $0x4000;
	p1 =	seq.s32 s23, $0x0  }
0x49: {  	s26 =	sshll.u32 s26, $0xE;
	[sflag:s18] =	ssyncset.done $0x0;
	p2 =	seq.s32 @!p1 s23, $0x27  }
0x4a: {  	s28 =	sor.u32 $0x2800, s26;
	[sflag:s18] =	ssyncadd.s32 $0xFFFFC000;
	p2 =	por p1, !p2  }
0x4b: {  	[spmem:s2] =	stream.indirect.scatter.add.f32 [tilespmem:s28], [sflag:$0x2], $0x80, s24, s19, $0xb8;
	[tilespmem:$0x1E400] =	vst v63  }
.Ltmp4:
0x4c: {  	_ = 	snop;
	(pc) =	sbr.rel @!p2 .LBB2_7-.Ltmp4, $4  }
0x4d: {  	s28 =	simm.s32 @!p1 $0x2  }
0x4e: {  	_ =	swait.ge @!p1 [sflag:s28], $0x4000  }
0x4f: {  	[sflag:s28] =	ssyncset.done @!p1 $0x0  }
0x50: {  	[sflag:s28] =	ssyncadd.s32 @!p1 $0xFFFFC000  }
.Ltmp5:
0x51: {  	(pc) =	sbr.rel .LBB2_5-.Ltmp5, $4  }
0x52: {  	_ = 	snop  }
0x53: {  	s26 =	sxor.u32 $0x6800, s26  }
0x54: {  	[tilespmem:s26], [sflag:$0x1] =	stream.indirect.gather [hbm4b:s4+s19], $0x80, s25, s19, $0xb8;
	[tilespmem:$0x1E400] =	vst v63  }
0x55: {  	s23 =	sadd.s32 $0x1, s23;
	s24 =	sadd.s32 $0x80, s24;
	s25 =	sadd.s32 $0x80, s25  }
.LBB2_8:
0x56: {  	_ =	sfence.sel $0x180000  }
0x57: {  	[bflag:$0x0] =	sbarrier.arrive $0xFFFF  }
0x58: {  	p0 =	sne.s32 s1, $0x0;
	_ =	strace $0x9000004A  }
0x59: {  	s0 =	sadd.s32 @!p0 $0x100000, s0;
	[bflag:$0x2] =	sbarrier.arrive $0xFFFF  }
0x5a: {  	[sflag:s0] =	ssyncadd.tile.s32 @!p0 $0x1;
	_ =	shalt  }
.Lfunc_end2:
_tile_overlayer_lowered:
.L_overlay_start_2:
0x5b: {  	(tag) =	ssettag $0x2  }
0x5c: {  	s0 =	rddreg [dreg:$0x0];
	s2 =	stileid.u32  }
0x5d: {  	s1 =	rddreg [dreg:$0x1];
	p0 =	sne.s32 s2, $0x0  }
0x5e: {  	s3 =	rddreg [dreg:$0x2];
	[bflag:$0x3] =	sbarrier.arrive $0xFFFF;
	s2 =	simm.s32 @!p0 $0x1C03  }
0x5f: {  	[timem:s3], [sflag:s2] =	dma.local @!p0 [hbm:s0], s1  }
0x60: {  	s0 =	simm.s32 @!p0 $0x3  }
0x61: {  	_ =	swait.ge @!p0 [sflag:s0], s1  }
0x62: {  	s1 =	ssub.s32 @!p0 $0x0, s1;
	[sflag:s0] =	ssyncset.done @!p0 $0x0  }
0x63: {  	[sflag:s0] =	ssyncadd.s32 @!p0 s1  }
0x64: {  	[bflag:$0x3] =	sbarrier.arrive $0xFFFF  }
0x65: {  	_ =	shalt  }

// kernel: kernel.14.cloned.1.call-start
scs
__scs_entry_jumppad:
0x0: {  	(pc) =	sbr.rel $0x88, $3  }
0x1: {  	(tag) =	ssettag $0x0;
	lr =	simm.s32 $0x1  }
0x2: {  	[smem:$0x3F99] =	sst lr;
	_ =	strace $0xD0000000  }
0x3: {  	_ = 	snop  }
0x4: {  	_ = 	snop  }
0x5: {  	_ = 	snop  }
0x6: {  	_ = 	snop  }
0x7: {  	_ = 	snop  }
__scs_overlays_trampoline_lowered:
0x8: {  	[smem:$0x3FA8] =	sst s0  }
0x9: {  	[smem:$0x3FA9] =	sst s1  }
0xa: {  	[smem:$0x3FAA] =	sst s2  }
0xb: {  	[smem:$0x3FAB] =	sst s3  }
0xc: {  	[smem:$0x3FAC] =	sst s4  }
0xd: {  	[smem:$0x3FAD] =	sst s5  }
0xe: {  	[smem:$0x3FAE] =	sst s6  }
0xf: {  	[smem:$0x3FAF] =	sst s7  }
0x10: {  	[smem:$0x3FB0] =	sst s8  }
0x11: {  	[smem:$0x3FB1] =	sst s9;
	s0 =	simm.s32 @!p0 $0x0  }
0x12: {  	s1 =	sld [smem:$0x3F97];
	s0 =	simm.s32 @p0 $0x1  }
0x13: {  	[smem:$0x3FB2] =	sst s0;
	s0 =	simm.s32 @!p1 $0x0  }
0x14: {  	s2 =	sld [smem:$0x3F96];
	s0 =	simm.s32 @p1 $0x1  }
0x15: {  	[smem:$0x3FB3] =	sst s0;
	s0 =	simm.s32 @!p2 $0x0  }
0x16: {  	s3 =	sld [smem:$0x3FDB];
	s0 =	simm.s32 @p2 $0x1  }
0x17: {  	s4 =	simm.s32 $0x1BF5;
	[smem:$0x3FB5] =	sst s0  }
0x18: {  	s0 =	sld [smem:$0x3F98];
	_ =	swait.ge [sflag:s4], $0x0  }
0x19: {  	s7 =	sld [smem:$0x3F99]  }
0x1a: {  	s8 =	sadd.s32 $0xFFFFE003, lr  }
0x1b: {  	s9 =	sadd.s32 $0xFFFFFEF7, lr;
	s5 =	simm.s32 $0xFFFFFFFF;
	p2 =	slt.u32 s8, $0xFFFFF086  }
0x1c: {  	p1 =	slt.u32 s9, $0xF7A;
	s5 =	simm.s32 @!p2 $0x0  }
0x1d: {  	s5 =	simm.s32 @p1 $0x1;
	p0 =	seq.s32 s7, s2  }
0x1e: {  	s7 =	smul.u32 @!p0 $0xF7A, s2;
	p2 =	seq.s32 @!p0 s5, $0x0  }
0x1f: {  	s9 =	smul.u32 $0xF7A, s1;
	s8 =	simm.s32 @!p0 $0x1BF5;
	p2 =	por !p2, p0  }
0x20: {  	[sflag:s8] =	ssyncset.s32 @!p0 $0xFFFFF086;
	s6 =	sadd.s32 @!p0 s3, s7;
	s7 =	simm.s32 @!p0 $0x108  }
0x21: {  	s3 =	sadd.s32 s3, s9;
	s6 =	sadd.s32 @!p0 $0x88, s6;
	s7 =	simm.s32 @p2 $0x1082  }
0x22: {  	[simem:s7], [sflag:s8] =	dma.local @!p0 [hbm:s6], $0xF7A  }
0x23: {  	s9 =	sor.u32 $0xD0000000, s2;
	s6 =	simm.s32 $0x108;
	_ =	swait.ge @!p0 [sflag:s8], $0x0  }
0x24: {  	s3 =	sadd.s32 $0x88, s3;
	s6 =	simm.s32 @!p1 $0x1082;
	[sflag:s4] =	ssyncset.s32 $0xFFFFF086  }
0x25: {  	[simem:s6], [sflag:s4] =	dma.local [hbm:s3], $0xF7A  }
0x26: {  	[smem:$0x3F99] =	sst s1;
	(tag) =	ssettag s2;
	_ =	strace s9  }
0x27: {  	s1 =	sld [smem:$0x3FA9]  }
0x28: {  	s2 =	sld [smem:$0x3FAA]  }
0x29: {  	s4 =	sld [smem:$0x3FAC]  }
0x2a: {  	p0 =	seq.s32 s5, $0x0;
	s5 =	sld [smem:$0x3FAD]  }
0x2b: {  	s6 =	sld [smem:$0x3FAE]  }
0x2c: {  	s7 =	sld [smem:$0x3FAF]  }
0x2d: {  	s3 =	simm.s32 $0x108;
	s8 =	sld [smem:$0x3FB0]  }
0x2e: {  	s3 =	simm.s32 @!p0 $0x1082;
	s9 =	sld [smem:$0x3FB1]  }
0x2f: {  	lr =	sadd.s32 s0, s3;
	s0 =	sld [smem:$0x3FA8]  }
0x30: {  	s3 =	sld [smem:$0x3FAB]  }
0x31: {  	[smem:$0x3FB4] =	sst s10  }
0x32: {  	s10 =	sld [smem:$0x3FB2];
	_ =	sdelay $0x3  }
0x33: {  	p0 =	seq.s32 s10, $0x1;
	s10 =	sld [smem:$0x3FB4];
	_ =	sdelay $0x3  }
0x34: {  	[smem:$0x3FB4] =	sst s10  }
0x35: {  	s10 =	sld [smem:$0x3FB3];
	_ =	sdelay $0x3  }
0x36: {  	p1 =	seq.s32 s10, $0x1;
	s10 =	sld [smem:$0x3FB4];
	_ =	sdelay $0x3  }
0x37: {  	[smem:$0x3FB4] =	sst s10  }
0x38: {  	s10 =	sld [smem:$0x3FB5]  }
0x39: {  	_ = 	snop;
	(pc) =	sbr.ind lr, $3  }
0x3a: {  	_ = 	snop  }
0x3b: {  	_ = 	snop  }
0x3c: {  	p2 =	seq.s32 s10, $0x1;
	s10 =	sld [smem:$0x3FB4]  }
0x3d: {  	_ =	shalt  }
0x3e: {  	_ =	shalt  }
0x3f: {  	_ =	shalt  }
0x40: {  	_ =	shalt  }
0x41: {  	_ =	shalt  }
0x42: {  	_ =	shalt  }
0x43: {  	_ =	shalt  }
0x44: {  	_ =	shalt  }
0x45: {  	_ =	shalt  }
0x46: {  	_ =	shalt  }
0x47: {  	_ =	shalt  }
0x48: {  	_ =	shalt  }
0x49: {  	_ =	shalt  }
0x4a: {  	_ =	shalt  }
0x4b: {  	_ =	shalt  }
0x4c: {  	_ =	shalt  }
0x4d: {  	_ =	shalt  }
0x4e: {  	_ =	shalt  }
0x4f: {  	_ =	shalt  }
0x50: {  	_ =	shalt  }
0x51: {  	_ =	shalt  }
0x52: {  	_ =	shalt  }
0x53: {  	_ =	shalt  }
0x54: {  	_ =	shalt  }
0x55: {  	_ =	shalt  }
0x56: {  	_ =	shalt  }
0x57: {  	_ =	shalt  }
0x58: {  	_ =	shalt  }
0x59: {  	_ =	shalt  }
0x5a: {  	_ =	shalt  }
0x5b: {  	_ =	shalt  }
0x5c: {  	_ =	shalt  }
0x5d: {  	_ =	shalt  }
0x5e: {  	_ =	shalt  }
0x5f: {  	_ =	shalt  }
0x60: {  	_ =	shalt  }
0x61: {  	_ =	shalt  }
0x62: {  	_ =	shalt  }
0x63: {  	_ =	shalt  }
0x64: {  	_ =	shalt  }
0x65: {  	_ =	shalt  }
0x66: {  	_ =	shalt  }
0x67: {  	_ =	shalt  }
0x68: {  	_ =	shalt  }
0x69: {  	_ =	shalt  }
0x6a: {  	_ =	shalt  }
0x6b: {  	_ =	shalt  }
0x6c: {  	_ =	shalt  }
0x6d: {  	_ =	shalt  }
0x6e: {  	_ =	shalt  }
0x6f: {  	_ =	shalt  }
0x70: {  	_ =	shalt  }
0x71: {  	_ =	shalt  }
0x72: {  	_ =	shalt  }
0x73: {  	_ =	shalt  }
0x74: {  	_ =	shalt  }
0x75: {  	_ =	shalt  }
0x76: {  	_ =	shalt  }
0x77: {  	_ =	shalt  }
0x78: {  	_ =	shalt  }
0x79: {  	_ =	shalt  }
0x7a: {  	_ =	shalt  }
0x7b: {  	_ =	shalt  }
0x7c: {  	_ =	shalt  }
0x7d: {  	_ =	shalt  }
0x7e: {  	_ =	shalt  }
0x7f: {  	_ =	shalt  }
0x80: {  	_ =	shalt  }
0x81: {  	_ =	shalt  }
0x82: {  	_ =	shalt  }
0x83: {  	_ =	shalt  }
0x84: {  	_ =	shalt  }
0x85: {  	_ =	shalt  }
0x86: {  	_ =	shalt  }
0x87: {  	_ =	shalt  }
.Lfunc_end0:
.L_simem_size_0:
called_computation.2_lowered:
.L_overlay_start_0:
0x88: {  	s2 =	sld [smem:$0x3FD9]  }
0x89: {  	s3 =	sld [smem:$0x3FFE];
	_ =	sdelay $0x1  }
0x8a: {  	s1 =	srdreg.scid  }
0x8b: {  	s0 =	sand.u32 $0x1, s1  }
0x8c: {  	s16 =	sshll.u32 s0, $0xA;
	s2 =	sadd.s32 s3, s2  }
0x8d: {  	s2 =	sadd.s32 s2, s16  }
0x8e: {  	[smem:$0x3FC0] =	sst s2  }
0x8f: {  	_ = 	snop  }
0x90: {  	(tm) =	ssettm $0x1  }
0x91: {  	s17 =	sld [smem:$0x3FFB];
	_ =	sdelay $0x3  }
0x92: {  	_ =	strace s17  }
0x93: {  	s2 =	sld [smem:$0x3FFC];
	_ =	sdelay $0x3  }
0x94: {  	_ =	strace s2  }
0x95: {  	s2 =	sld [smem:$0x3FFD];
	_ =	sdelay $0x3  }
0x96: {  	_ =	strace s2  }
0x97: {  	_ =	strace $0x8FFFFFFF  }
0x98: {  	s18 =	sld [smem:$0x3FDB];
	_ =	sdelay $0x1  }
0x99: {  	s19 =	simm.s32 $_scs_section_size  }
0x9a: {  	s4 =	simm.s32 $_size__tile_overlayer_lowered;
	s5 =	simm.s32 $_tile_overlayer_lowered  }
0x9b: {  	s22 =	simm.s32 $0x1BFF;
	s21 =	sshll.u32 s5, $0x1;
	s2 =	sadd.s32 s19, s18  }
0x9c: {  	s6 =	simm.s32 $0x0;
	s20 =	sshll.u32 s4, $0x1;
	s4 =	sadd.s32 s21, s2  }
0x9d: {  	[timem:s6], [sflag:s22] =	dma.local [hbm:s4], s20  }
0x9e: {  	_ =	swait.ge [sflag:s22], s20  }
0x9f: {  	s3 =	ssub.s32 $0x0, s20;
	[sflag:s22] =	ssyncset.done $0x0  }
0xa0: {  	[sflag:s22] =	ssyncadd.s32 s3;
	_ =	sdelay $0x1  }
0xa1: {  	s23 =	simm.s32 $0x1B8B  }
0xa2: {  	_ =	swait.ge [sflag:s23], $0x1  }
0xa3: {  	[sflag:s23] =	ssyncset.done $0x0  }
0xa4: {  	s25 =	simm.s32 $0x1B8E;
	s24 =	sld [smem:$0x3FFE];
	[sflag:s23] =	ssyncadd.s32 $0xFFFFFFFF  }
0xa5: {  	s26 =	simm.s32 $execute0_lowered;
	[smem:$0x3FD2] =	sst s25  }
0xa6: {  	s4 =	sshll.u32 s26, $0x1;
	_ =	strace $0x8000004C;
	[dreg:$0x1] =	wrdreg $0xFFFFFFFF  }
0xa7: {  	s28 =	simm.s32 $_size_execute0_lowered;
	s2 =	sadd.s32 s2, s4;
	[dreg:$0x0] =	wrdreg $0x0  }
0xa8: {  	s4 =	sshll.u32 s28, $0x1;
	[dreg:$0x2] =	wrdreg s2  }
0xa9: {  	[dreg:$0x3] =	wrdreg s4  }
0xaa: {  	[dreg:$0x4] =	wrdreg $0xC0  }
0xab: {  	_ =	task [dreg:s6], $0x5FFFF  }
0xac: {  	[dreg:$0x1] =	wrdreg $0xFFFFFFFF  }
0xad: {  	[dreg:$0x0] =	wrdreg $0x60  }
0xae: {  	[dreg:$0x2] =	wrdreg s24  }
0xaf: {  	[dreg:$0x3] =	wrdreg $0xA8000  }
0xb0: {  	[dreg:$0x4] =	wrdreg $0x9  }
0xb1: {  	_ =	task.clear_ibuf [dreg:s6], $0x5FFFF;
	_ =	strace $0x9000004C  }
0xb2: {  	s29 =	simm.s32 $0x9;
	_ =	strace $0x8000004E  }
0xb3: {  	_ =	swait.ge [sflag:s29], $0x1  }
0xb4: {  	[sflag:s29] =	ssyncadd.s32 $0xFFFFFFFF  }
0xb5: {  	_ =	strace $0x9000004E  }
0xb6: {  	_ =	sfence  }
0xb7: {  	s30 =	sld [smem:$0x0];
	_ =	sdelay $0x2  }
0xb8: {  	s31 =	sshll.u32 s1, $0xD;
	s1 =	sshrl.u32 s1, $0x2  }
0xb9: {  	s3 =	sand.u32 $0x4000, s31;
	s1 =	sadd.s32 s1, s30  }
0xba: {  	s0 =	sor.u32 s3, s0;
	s1 =	sshll.u32 s1, $0x11  }
0xbb: {  	s0 =	sor.u32 s1, s0  }
0xbc: {  	s0 =	sadd.s32 $0x8F2B, s0  }
0xbd: {  	[sflag:s0] =	ssyncadd.remote.s32 $0x1  }
0xbe: {  	_ =	sfence.sel $0xFFFF  }
0xbf: {  	[dreg:$0x0] =	wrdreg $0xFFFFFFFF;
	(pc) =	sbr.abs _section_cstart, $3  }
0xc0: {  	[dreg:$0x1] =	wrdreg $0xFFFFFFFF  }
0xc1: {  	_ =	task.clear_ibuf [dreg:s6], $0x2FFFF;
	_ =	strace $0x9FFFFFFF  }
0xc2: {  	(tm) =	ssettm $0x7FFFFFFF  }
0xc3: {  	_ =	shalt  }
tec
execute0_lowered:
.L_overlay_start_1:
0x0: {  	(tag) =	ssettag $0x1  }
0x1: {  	s11 =	rddreg [dreg:$0x0]  }
0x2: {  	s2 =	rddreg [dreg:$0x1]  }
0x3: {  	s0 =	rddreg [dreg:$0x2];
	s3 =	simm.s32 $0x0;
	s1 =	stileid.u32  }
0x4: {  	s4 =	srdreg.scid;
	s17 =	simm.s32 $0x1;
	s18 =	simm.s32 $0x80  }
0x5: {  	s19 =	simm.s32 $0x2;
	[smem:$0x7FF] =	sst s3;
	s7 =	smul.u32 $0x2780, s1  }
0x6: {  	s12 =	sand.u32 $0x1, s4;
	s4 =	sadd.s32 $0xC3800, s11;
	s5 =	sadd.s32 $0x112200, s11  }
0x7: {  	s6 =	sadd.s32 $0x126200, s11;
	s13 =	smul.u32 $0x4F000, s1;
	s31 =	sshll.u32 s1, $0x6  }
0x8: {  	s16 =	smul.u32 $0xA0, s1;
	p1 =	sne.s32 s1, $0xF;
	s20 =	sadd.s32 $0x128400, s2  }
0x9: {  	_ =	strace $0x8000004D;
	s8 =	smul.u32 $0x27100, s12;
	s10 =	ssub.s32 $0x2, s12  }
0xa: {  	s29 =	smul.u32 $0xA00, s12;
	p0 =	seq.s32 s12, $0x1;
	s9 =	sadd.s32 s7, s11  }
0xb: {  	s28 =	sshrl.u32 s10, $0x1;
	s30 =	sshrl.u32 s13, $0x2;
	p0 =	por p1, p0  }
.Ltmp0:
0xc: {  	s7 =	sadd.s32 s7, s8;
	s15 =	ssub.s32 s10, s28;
	(pc) =	sbr.rel .LBB2_1-.Ltmp0, $4  }
0xd: {  	s8 =	sadd.s32 $0x9C000, s9;
	s9 =	sor.u32 $0x1C03, s31;
	s10 =	sadd.s32 s16, s29  }
0xe: {  	s16 =	simm.s32 $0x2800;
	s20 =	sshrl.u32 @!p0 s20, $0x3;
	s14 =	sadd.s32 s7, s11  }
0xf: {  	s7 =	sadd.s32 s30, s2;
	s11 =	sadd.s32 $0x15F280, s11;
	s13 =	smax.u32 s15, $0x1  }
0x10: {  	s15 =	simm.s32 $0x3;
	s12 =	sadd.s32 $0x13A200, s14;
	s14 =	sshrl.u32 s7, $0x3  }
.LBB2_6:
0x11: {  	[bflag:$0x0] =	sbarrier.arrive $0xFFFF;
	s21 =	sshrl.u32 @p0 s7, $0x3  }
0x12: {  	[hbm:s12], [sflag:s9] =	dma.local @p0 [spmem:s21], $0x2780  }
0x13: {  	s21 =	simm.s32 @p0 $0x3  }
0x14: {  	s3 =	sadd.s32 $0x1, s3;
	_ =	swait.ge @p0 [sflag:s21], $0x2780  }
0x15: {  	p1 =	sne.s32 s3, s13;
	[sflag:s21] =	ssyncset.done @p0 $0x0  }
.Ltmp1:
0x16: {  	[sflag:s21] =	ssyncadd.s32 @p0 $0xFFFFD880;
	s21 =	simm.s32 @!p0 $0x3;
	(pc) =	sbr.rel @!p1 .LBB2_7-.Ltmp1, $4  }
0x17: {  	[hbm:s11], [sflag:s9] =	dma.local @!p0 [spmem:s20], $0x2080  }
0x18: {  	_ =	swait.ge @!p0 [sflag:s21], $0x2080  }
0x19: {  	[sflag:s21] =	ssyncset.done @!p0 $0x0  }
0x1a: {  	[sflag:s21] =	ssyncadd.s32 @!p0 $0xFFFFDF80  }
.LBB2_1:
0x1b: {  	[spmem:s14], [sflag:s9] =	dma.local [hbm:s8], $0x2780  }
.Ltmp2:
0x1c: {  	_ =	swait.ge [sflag:s15], $0x2780;
	(pc) =	sbr.rel .LBB2_2-.Ltmp2, $4  }
0x1d: {  	[sflag:s15] =	ssyncset.done $0x0  }
0x1e: {  	[sflag:s15] =	ssyncadd.s32 $0xFFFFD880  }
0x1f: {  	[bflag:$0x0] =	sbarrier.arrive $0xFFFF  }
0x20: {  	s21 =	simm.s32 $0x0  }
.LBB2_5:
0x21: {  	s21 =	sadd.s32 $0x1, s21  }
0x22: {  	p1 =	sne.s32 s21, $0x4  }
.Ltmp3:
0x23: {  	_ = 	snop;
	(pc) =	sbr.rel @!p1 .LBB2_6-.Ltmp3, $4  }
0x24: {  	_ = 	snop  }
0x25: {  	_ =	swait.ge [sflag:s19], $0x4000  }
0x26: {  	[sflag:s19] =	ssyncset.done $0x0  }
0x27: {  	[sflag:s19] =	ssyncadd.s32 $0xFFFFC000  }
.LBB2_2:
0x28: {  	s22 =	smul.u32 $0x28, s21;
	_ =	sdelay $0x1  }
0x29: {  	s22 =	sadd.s32 s22, s10  }
0x2a: {  	s23 =	sshll.u32 s22, $0x4  }
0x2b: {  	s22 =	simm.s32 $0x0;
	s24 =	sadd.s32 s5, s23  }
0x2c: {  	[tilespmem:s22], [sflag:$0x3] =	stream.linear.gather [hbm4b:s24+s22], $0x1400, $0x38;
	[tilespmem:$0x1E400] =	vst v63  }
0x2d: {  	_ =	swait.ge [sflag:s15], $0x1400  }
0x2e: {  	[sflag:s15] =	ssyncset.done $0x0  }
0x2f: {  	s31 =	sadd.s32 s6, s23;
	s23 =	simm.s32 $0x1400;
	[sflag:s15] =	ssyncadd.s32 $0xFFFFEC00  }
0x30: {  	[tilespmem:s23], [sflag:$0x3] =	stream.linear.gather [hbm4b:s31+s22], $0x1400, $0x38;
	[tilespmem:$0x1E400] =	vst v63  }
0x31: {  	_ =	swait.ge [sflag:s15], $0x1400  }
0x32: {  	[sflag:s15] =	ssyncset.done $0x0  }
0x33: {  	s24 =	simm.s32 $0x80;
	[sflag:s15] =	ssyncadd.s32 $0xFFFFEC00  }
0x34: {  	[tilespmem:s16], [sflag:$0x1] =	stream.indirect.gather [hbm4b:s4+s24], $0x80, s22, s24, $0xb8;
	[tilespmem:$0x1E400] =	vst v63  }
.LBB2_3:
0x35: {  	s25 =	sand.u32 $0x1, s22;
	_ =	swait.ge [sflag:s17], $0x4000;
	p1 =	seq.s32 s22, $0x0  }
0x36: {  	s25 =	sshll.u32 s25, $0xE;
	[sflag:s17] =	ssyncset.done $0x0;
	p2 =	seq.s32 @!p1 s22, $0x27  }
0x37: {  	s26 =	sor.u32 $0x2800, s25;
	[sflag:s17] =	ssyncadd.s32 $0xFFFFC000;
	p2 =	por p1, !p2  }
0x38: {  	[spmem:s2] =	stream.indirect.scatter.add.f32 [tilespmem:s26], [sflag:$0x2], $0x80, s23, s18, $0xb8;
	[tilespmem:$0x1E400] =	vst v63  }
.Ltmp4:
0x39: {  	_ = 	snop;
	(pc) =	sbr.rel @!p2 .LBB2_5-.Ltmp4, $4  }
0x3a: {  	s26 =	simm.s32 @!p1 $0x2  }
0x3b: {  	_ =	swait.ge @!p1 [sflag:s26], $0x4000  }
0x3c: {  	[sflag:s26] =	ssyncset.done @!p1 $0x0  }
0x3d: {  	[sflag:s26] =	ssyncadd.s32 @!p1 $0xFFFFC000  }
.Ltmp5:
0x3e: {  	(pc) =	sbr.rel .LBB2_3-.Ltmp5, $4  }
0x3f: {  	_ = 	snop  }
0x40: {  	s25 =	sxor.u32 $0x6800, s25  }
0x41: {  	[tilespmem:s25], [sflag:$0x1] =	stream.indirect.gather [hbm4b:s4+s18], $0x80, s24, s18, $0xb8;
	[tilespmem:$0x1E400] =	vst v63  }
0x42: {  	s22 =	sadd.s32 $0x1, s22;
	s23 =	sadd.s32 $0x80, s23;
	s24 =	sadd.s32 $0x80, s24  }
.LBB2_7:
0x43: {  	_ =	sfence.sel $0x180000  }
0x44: {  	[bflag:$0x0] =	sbarrier.arrive $0xFFFF  }
0x45: {  	p0 =	sne.s32 s1, $0x0;
	_ =	strace $0x9000004D  }
0x46: {  	s0 =	sadd.s32 @!p0 $0x100000, s0;
	[bflag:$0x2] =	sbarrier.arrive $0xFFFF  }
0x47: {  	[sflag:s0] =	ssyncadd.tile.s32 @!p0 $0x1;
	_ =	shalt  }
.Lfunc_end2:
_tile_overlayer_lowered:
.L_overlay_start_2:
0x48: {  	(tag) =	ssettag $0x2  }
0x49: {  	s0 =	rddreg [dreg:$0x0];
	s2 =	stileid.u32  }
0x4a: {  	s1 =	rddreg [dreg:$0x1];
	p0 =	sne.s32 s2, $0x0  }
0x4b: {  	s3 =	rddreg [dreg:$0x2];
	[bflag:$0x3] =	sbarrier.arrive $0xFFFF;
	s2 =	simm.s32 @!p0 $0x1C03  }
0x4c: {  	[timem:s3], [sflag:s2] =	dma.local @!p0 [hbm:s0], s1  }
0x4d: {  	s0 =	simm.s32 @!p0 $0x3  }
0x4e: {  	_ =	swait.ge @!p0 [sflag:s0], s1  }
0x4f: {  	s1 =	ssub.s32 @!p0 $0x0, s1;
	[sflag:s0] =	ssyncset.done @!p0 $0x0  }
0x50: {  	[sflag:s0] =	ssyncadd.s32 @!p0 s1  }
0x51: {  	[bflag:$0x3] =	sbarrier.arrive $0xFFFF  }
0x52: {  	_ =	shalt  }

// kernel: kernel.8.cloned.1.call-start
scs
__scs_entry_jumppad:
0x0: {  	(pc) =	sbr.rel $0x88, $3  }
0x1: {  	(tag) =	ssettag $0x0;
	lr =	simm.s32 $0x1  }
0x2: {  	[smem:$0x3F99] =	sst lr;
	_ =	strace $0xD0000000  }
0x3: {  	_ = 	snop  }
0x4: {  	_ = 	snop  }
0x5: {  	_ = 	snop  }
0x6: {  	_ = 	snop  }
0x7: {  	_ = 	snop  }
__scs_overlays_trampoline_lowered:
0x8: {  	[smem:$0x3FA8] =	sst s0  }
0x9: {  	[smem:$0x3FA9] =	sst s1  }
0xa: {  	[smem:$0x3FAA] =	sst s2  }
0xb: {  	[smem:$0x3FAB] =	sst s3  }
0xc: {  	[smem:$0x3FAC] =	sst s4  }
0xd: {  	[smem:$0x3FAD] =	sst s5  }
0xe: {  	[smem:$0x3FAE] =	sst s6  }
0xf: {  	[smem:$0x3FAF] =	sst s7  }
0x10: {  	[smem:$0x3FB0] =	sst s8  }
0x11: {  	[smem:$0x3FB1] =	sst s9;
	s0 =	simm.s32 @!p0 $0x0  }
0x12: {  	s1 =	sld [smem:$0x3F97];
	s0 =	simm.s32 @p0 $0x1  }
0x13: {  	[smem:$0x3FB2] =	sst s0;
	s0 =	simm.s32 @!p1 $0x0  }
0x14: {  	s2 =	sld [smem:$0x3F96];
	s0 =	simm.s32 @p1 $0x1  }
0x15: {  	[smem:$0x3FB3] =	sst s0;
	s0 =	simm.s32 @!p2 $0x0  }
0x16: {  	s3 =	sld [smem:$0x3FDB];
	s0 =	simm.s32 @p2 $0x1  }
0x17: {  	s4 =	simm.s32 $0x1BF5;
	[smem:$0x3FB5] =	sst s0  }
0x18: {  	s0 =	sld [smem:$0x3F98];
	_ =	swait.ge [sflag:s4], $0x0  }
0x19: {  	s7 =	sld [smem:$0x3F99]  }
0x1a: {  	s8 =	sadd.s32 $0xFFFFE003, lr  }
0x1b: {  	s9 =	sadd.s32 $0xFFFFFEF7, lr;
	s5 =	simm.s32 $0xFFFFFFFF;
	p2 =	slt.u32 s8, $0xFFFFF086  }
0x1c: {  	p1 =	slt.u32 s9, $0xF7A;
	s5 =	simm.s32 @!p2 $0x0  }
0x1d: {  	s5 =	simm.s32 @p1 $0x1;
	p0 =	seq.s32 s7, s2  }
0x1e: {  	s7 =	smul.u32 @!p0 $0xF7A, s2;
	p2 =	seq.s32 @!p0 s5, $0x0  }
0x1f: {  	s9 =	smul.u32 $0xF7A, s1;
	s8 =	simm.s32 @!p0 $0x1BF5;
	p2 =	por !p2, p0  }
0x20: {  	[sflag:s8] =	ssyncset.s32 @!p0 $0xFFFFF086;
	s6 =	sadd.s32 @!p0 s3, s7;
	s7 =	simm.s32 @!p0 $0x108  }
0x21: {  	s3 =	sadd.s32 s3, s9;
	s6 =	sadd.s32 @!p0 $0x88, s6;
	s7 =	simm.s32 @p2 $0x1082  }
0x22: {  	[simem:s7], [sflag:s8] =	dma.local @!p0 [hbm:s6], $0xF7A  }
0x23: {  	s9 =	sor.u32 $0xD0000000, s2;
	s6 =	simm.s32 $0x108;
	_ =	swait.ge @!p0 [sflag:s8], $0x0  }
0x24: {  	s3 =	sadd.s32 $0x88, s3;
	s6 =	simm.s32 @!p1 $0x1082;
	[sflag:s4] =	ssyncset.s32 $0xFFFFF086  }
0x25: {  	[simem:s6], [sflag:s4] =	dma.local [hbm:s3], $0xF7A  }
0x26: {  	[smem:$0x3F99] =	sst s1;
	(tag) =	ssettag s2;
	_ =	strace s9  }
0x27: {  	s1 =	sld [smem:$0x3FA9]  }
0x28: {  	s2 =	sld [smem:$0x3FAA]  }
0x29: {  	s4 =	sld [smem:$0x3FAC]  }
0x2a: {  	p0 =	seq.s32 s5, $0x0;
	s5 =	sld [smem:$0x3FAD]  }
0x2b: {  	s6 =	sld [smem:$0x3FAE]  }
0x2c: {  	s7 =	sld [smem:$0x3FAF]  }
0x2d: {  	s3 =	simm.s32 $0x108;
	s8 =	sld [smem:$0x3FB0]  }
0x2e: {  	s3 =	simm.s32 @!p0 $0x1082;
	s9 =	sld [smem:$0x3FB1]  }
0x2f: {  	lr =	sadd.s32 s0, s3;
	s0 =	sld [smem:$0x3FA8]  }
0x30: {  	s3 =	sld [smem:$0x3FAB]  }
0x31: {  	[smem:$0x3FB4] =	sst s10  }
0x32: {  	s10 =	sld [smem:$0x3FB2];
	_ =	sdelay $0x3  }
0x33: {  	p0 =	seq.s32 s10, $0x1;
	s10 =	sld [smem:$0x3FB4];
	_ =	sdelay $0x3  }
0x34: {  	[smem:$0x3FB4] =	sst s10  }
0x35: {  	s10 =	sld [smem:$0x3FB3];
	_ =	sdelay $0x3  }
0x36: {  	p1 =	seq.s32 s10, $0x1;
	s10 =	sld [smem:$0x3FB4];
	_ =	sdelay $0x3  }
0x37: {  	[smem:$0x3FB4] =	sst s10  }
0x38: {  	s10 =	sld [smem:$0x3FB5]  }
0x39: {  	_ = 	snop;
	(pc) =	sbr.ind lr, $3  }
0x3a: {  	_ = 	snop  }
0x3b: {  	_ = 	snop  }
0x3c: {  	p2 =	seq.s32 s10, $0x1;
	s10 =	sld [smem:$0x3FB4]  }
0x3d: {  	_ =	shalt  }
0x3e: {  	_ =	shalt  }
0x3f: {  	_ =	shalt  }
0x40: {  	_ =	shalt  }
0x41: {  	_ =	shalt  }
0x42: {  	_ =	shalt  }
0x43: {  	_ =	shalt  }
0x44: {  	_ =	shalt  }
0x45: {  	_ =	shalt  }
0x46: {  	_ =	shalt  }
0x47: {  	_ =	shalt  }
0x48: {  	_ =	shalt  }
0x49: {  	_ =	shalt  }
0x4a: {  	_ =	shalt  }
0x4b: {  	_ =	shalt  }
0x4c: {  	_ =	shalt  }
0x4d: {  	_ =	shalt  }
0x4e: {  	_ =	shalt  }
0x4f: {  	_ =	shalt  }
0x50: {  	_ =	shalt  }
0x51: {  	_ =	shalt  }
0x52: {  	_ =	shalt  }
0x53: {  	_ =	shalt  }
0x54: {  	_ =	shalt  }
0x55: {  	_ =	shalt  }
0x56: {  	_ =	shalt  }
0x57: {  	_ =	shalt  }
0x58: {  	_ =	shalt  }
0x59: {  	_ =	shalt  }
0x5a: {  	_ =	shalt  }
0x5b: {  	_ =	shalt  }
0x5c: {  	_ =	shalt  }
0x5d: {  	_ =	shalt  }
0x5e: {  	_ =	shalt  }
0x5f: {  	_ =	shalt  }
0x60: {  	_ =	shalt  }
0x61: {  	_ =	shalt  }
0x62: {  	_ =	shalt  }
0x63: {  	_ =	shalt  }
0x64: {  	_ =	shalt  }
0x65: {  	_ =	shalt  }
0x66: {  	_ =	shalt  }
0x67: {  	_ =	shalt  }
0x68: {  	_ =	shalt  }
0x69: {  	_ =	shalt  }
0x6a: {  	_ =	shalt  }
0x6b: {  	_ =	shalt  }
0x6c: {  	_ =	shalt  }
0x6d: {  	_ =	shalt  }
0x6e: {  	_ =	shalt  }
0x6f: {  	_ =	shalt  }
0x70: {  	_ =	shalt  }
0x71: {  	_ =	shalt  }
0x72: {  	_ =	shalt  }
0x73: {  	_ =	shalt  }
0x74: {  	_ =	shalt  }
0x75: {  	_ =	shalt  }
0x76: {  	_ =	shalt  }
0x77: {  	_ =	shalt  }
0x78: {  	_ =	shalt  }
0x79: {  	_ =	shalt  }
0x7a: {  	_ =	shalt  }
0x7b: {  	_ =	shalt  }
0x7c: {  	_ =	shalt  }
0x7d: {  	_ =	shalt  }
0x7e: {  	_ =	shalt  }
0x7f: {  	_ =	shalt  }
0x80: {  	_ =	shalt  }
0x81: {  	_ =	shalt  }
0x82: {  	_ =	shalt  }
0x83: {  	_ =	shalt  }
0x84: {  	_ =	shalt  }
0x85: {  	_ =	shalt  }
0x86: {  	_ =	shalt  }
0x87: {  	_ =	shalt  }
.Lfunc_end0:
.L_simem_size_0:
called_computation_lowered:
.L_overlay_start_0:
0x88: {  	s2 =	sld [smem:$0x3FD9]  }
0x89: {  	s3 =	sld [smem:$0x3FFE];
	_ =	sdelay $0x1  }
0x8a: {  	s1 =	srdreg.scid  }
0x8b: {  	s0 =	sand.u32 $0x1, s1  }
0x8c: {  	s17 =	sshll.u32 s0, $0xA;
	s2 =	sadd.s32 s3, s2  }
0x8d: {  	s2 =	sadd.s32 s2, s17  }
0x8e: {  	[smem:$0x3FC0] =	sst s2  }
0x8f: {  	_ = 	snop  }
0x90: {  	s2 =	sld [smem:$0x3FD0];
	(tm) =	ssettm $0x1  }
0x91: {  	s18 =	sld [smem:$0x3FFB];
	_ =	sdelay $0x3  }
0x92: {  	_ =	strace s18  }
0x93: {  	s3 =	sld [smem:$0x3FFC];
	_ =	sdelay $0x3  }
0x94: {  	_ =	strace s3  }
0x95: {  	s3 =	sld [smem:$0x3FFD];
	_ =	sdelay $0x3  }
0x96: {  	_ =	strace s3  }
0x97: {  	_ =	strace $0x8FFFFFFF  }
0x98: {  	s19 =	sld [smem:$0x3FDB];
	_ =	sdelay $0x1  }
0x99: {  	s4 =	simm.s32 $_scs_section_size  }
0x9a: {  	s5 =	simm.s32 $_size__tile_overlayer_lowered;
	s6 =	simm.s32 $_tile_overlayer_lowered  }
0x9b: {  	s22 =	simm.s32 $0x1BFF;
	s21 =	sshll.u32 s6, $0x1;
	s3 =	sadd.s32 s4, s19  }
0x9c: {  	s7 =	simm.s32 $0x0;
	s20 =	sshll.u32 s5, $0x1;
	s5 =	sadd.s32 s21, s3  }
0x9d: {  	[timem:s7], [sflag:s22] =	dma.local [hbm:s5], s20  }
0x9e: {  	_ =	swait.ge [sflag:s22], s20  }
0x9f: {  	s4 =	ssub.s32 $0x0, s20;
	[sflag:s22] =	ssyncset.done $0x0  }
0xa0: {  	[sflag:s22] =	ssyncadd.s32 s4;
	_ =	sdelay $0x1  }
0xa1: {  	s23 =	simm.s32 $0x1B8B  }
0xa2: {  	_ =	swait.ge [sflag:s23], $0x1  }
0xa3: {  	[sflag:s23] =	ssyncset.done $0x0  }
0xa4: {  	s25 =	simm.s32 $0x1B8E;
	s24 =	sld [smem:$0x3FFE];
	[sflag:s23] =	ssyncadd.s32 $0xFFFFFFFF  }
0xa5: {  	s26 =	simm.s32 $execute0_lowered;
	[smem:$0x3FD2] =	sst s25  }
0xa6: {  	s5 =	sshll.u32 s26, $0x1;
	_ =	strace $0x80000046;
	[dreg:$0x1] =	wrdreg $0xFFFFFFFF  }
0xa7: {  	s28 =	simm.s32 $_size_execute0_lowered;
	s3 =	sadd.s32 s3, s5;
	[dreg:$0x0] =	wrdreg $0x0  }
0xa8: {  	s5 =	sshll.u32 s28, $0x1;
	[dreg:$0x2] =	wrdreg s3  }
0xa9: {  	[dreg:$0x3] =	wrdreg s5  }
0xaa: {  	[dreg:$0x4] =	wrdreg $0xC0  }
0xab: {  	_ =	task [dreg:s7], $0x5FFFF  }
0xac: {  	[dreg:$0x1] =	wrdreg $0xFFFFFFFF  }
0xad: {  	[dreg:$0x0] =	wrdreg $0x60  }
0xae: {  	[dreg:$0x2] =	wrdreg s2  }
0xaf: {  	[dreg:$0x3] =	wrdreg s24  }
0xb0: {  	[dreg:$0x4] =	wrdreg $0x10000  }
0xb1: {  	[dreg:$0x5] =	wrdreg $0x9  }
0xb2: {  	_ =	task.clear_ibuf [dreg:s7], $0x6FFFF;
	_ =	strace $0x90000046  }
0xb3: {  	s29 =	simm.s32 $0x9;
	_ =	strace $0x80000048  }
0xb4: {  	_ =	swait.ge [sflag:s29], $0x1  }
0xb5: {  	[sflag:s29] =	ssyncadd.s32 $0xFFFFFFFF  }
0xb6: {  	_ =	strace $0x90000048  }
0xb7: {  	_ =	sfence  }
0xb8: {  	s30 =	sld [smem:$0x0];
	_ =	sdelay $0x2  }
0xb9: {  	s31 =	sshll.u32 s1, $0xD;
	s1 =	sshrl.u32 s1, $0x2  }
0xba: {  	s3 =	sand.u32 $0x4000, s31;
	s1 =	sadd.s32 s1, s30  }
0xbb: {  	s0 =	sor.u32 s3, s0;
	s1 =	sshll.u32 s1, $0x11  }
0xbc: {  	s0 =	sor.u32 s1, s0  }
0xbd: {  	s0 =	sadd.s32 $0x8F2B, s0  }
0xbe: {  	[sflag:s0] =	ssyncadd.remote.s32 $0x1  }
0xbf: {  	_ =	sfence.sel $0xFFFF  }
0xc0: {  	[dreg:$0x0] =	wrdreg $0xFFFFFFFF;
	(pc) =	sbr.abs _section_cstart, $3  }
0xc1: {  	[dreg:$0x1] =	wrdreg $0xFFFFFFFF  }
0xc2: {  	_ =	task.clear_ibuf [dreg:s7], $0x2FFFF;
	_ =	strace $0x9FFFFFFF  }
0xc3: {  	(tm) =	ssettm $0x7FFFFFFF  }
tec
execute0_lowered:
.L_overlay_start_1:
0x0: {  	(tag) =	ssettag $0x1  }
0x1: {  	s0 =	rddreg [dreg:$0x0]  }
0x2: {  	s1 =	rddreg [dreg:$0x1]  }
0x3: {  	s2 =	rddreg [dreg:$0x2]  }
0x4: {  	s13 =	stileid.u32;
	s5 =	srdreg.scid  }
0x5: {  	s3 =	simm.s32 $0x0;
	s14 =	simm.s32 $0x800;
	s15 =	simm.s32 $0x80  }
0x6: {  	s16 =	simm.s32 $0x100;
	s17 =	simm.s32 $0x180;
	s18 =	simm.s32 $0x200  }
0x7: {  	s19 =	simm.s32 $0x280;
	s28 =	simm.s32 $0x600;
	s29 =	simm.s32 $0x680  }
0x8: {  	s30 =	simm.s32 $0x700;
	s31 =	simm.s32 $0x780;
	s4 =	smul.u32 $0x2780, s13  }
0x9: {  	s6 =	sand.u32 $0x1, s5;
	s20 =	smul.u32 $0x4F0, s13;
	[smem:$0x7FF] =	sst s3  }
0xa: {  	s8 =	sadd.s32 $0x8400, s1;
	s23 =	sshll.u32 s13, $0x6;
	s24 =	smul.u32 $0x2800, s13  }
0xb: {  	p1 =	sne.s32 s13, $0xF;
	s13 =	simm.s32 $0x1;
	s7 =	smul.u32 $0x4E20, s6  }
0xc: {  	_ =	strace $0x80000047;
	[dreg:$0x4] =	wrdreg s8;
	s21 =	ssub.s32 $0x2, s6  }
0xd: {  	s12 =	smul.u32 $0x28000, s6;
	p0 =	seq.s32 s6, $0x1;
	s9 =	sshrl.u32 s4, $0x3  }
0xe: {  	s22 =	sshrl.u32 s21, $0x1;
	p0 =	por p1, p0;
	s5 =	sadd.s32 s20, s7  }
0xf: {  	s9 =	sadd.s32 s9, s1;
	s11 =	ssub.s32 s21, s22;
	s7 =	sor.u32 $0x1C01, s23  }
0x10: {  	s26 =	sadd.s32 s24, s12;
	s20 =	simm.s32 $0x300;
	s21 =	simm.s32 $0x380  }
0x11: {  	s22 =	simm.s32 $0x400;
	s23 =	simm.s32 $0x480;
	s24 =	simm.s32 $0x500  }
0x12: {  	s10 =	sadd.s32 s5, s1;
	s5 =	sadd.s32 s4, s2;
	s25 =	sadd.s32 $0x3400, s9  }
0x13: {  	s1 =	sadd.s32 $0xD010, s1;
	s4 =	sshrl.u32 s26, $0x3;
	[dreg:$0x5] =	wrdreg s25  }
0x14: {  	s26 =	simm.s32 $0x580;
	[dreg:$0x6] =	wrdreg s1;
	s1 =	sadd.s32 $0x25080, s2  }
0x15: {  	s9 =	sadd.s32 $0x8600, s10;
	s10 =	smax.u32 s11, $0x1;
	s11 =	sadd.s32 s4, s0  }
0x16: {  	s12 =	sshrl.u32 s5, $0x3;
	s0 =	simm.s32 $0x0;
	s25 =	sshrl.u32 @!p0 s1, $0x3  }
.LBB2_1:
0x17: {  	s1 =	rddreg [dreg:$0x5]  }
0x18: {  	[spmem:s12], [sflag:s7] =	dma.local [hbm:s1], $0x4F0  }
0x19: {  	_ =	swait.ge [sflag:s13], $0x4F0  }
0x1a: {  	[sflag:s13] =	ssyncset.done $0x0  }
0x1b: {  	s6 =	rddreg [dreg:$0x4];
	[sflag:s13] =	ssyncadd.s32 $0xFFFFFB10  }
0x1c: {  	[tilespmem:s14], [sflag:$0x1] =	stream.linear.gather [hbm4b:s6+s3], $0x800, $0x38;
	[tilespmem:$0x3780] =	vst v63  }
0x1d: {  	_ =	swait.ge [sflag:s13], $0x800  }
0x1e: {  	[sflag:s13] =	ssyncset.done $0x0  }
0x1f: {  	[sflag:s13] =	ssyncadd.s32 $0xFFFFF800  }
0x20: {  	s8 =	sadd.s32 $0x0, s11;
	[bflag:$0x0] =	sbarrier.arrive $0xFFFF  }
0x21: {  	[tilespmem:s3], [sflag:$0x1] =	stream.linear.gather [hbm4b:s8+s3], $0x800, $0x38;
	[tilespmem:$0x3780] =	vst v63  }
0x22: {  	_ =	swait.ge [sflag:s13], $0x800  }
0x23: {  	[sflag:s13] =	ssyncset.done $0x0  }
0x24: {  	[sflag:s13] =	ssyncadd.s32 $0xFFFFF800  }
0x25: {  	[spmem:s2] =	stream.indirect.scatter.add.f32 [tilespmem:s14], [sflag:$0x1], $0x10, s3, s15, $0xb8;
	[tilespmem:$0x3780] =	vst v63  }
0x26: {  	_ =	swait.ge [sflag:s13], $0x800  }
0x27: {  	[sflag:s13] =	ssyncset.done $0x0  }
0x28: {  	[sflag:s13] =	ssyncadd.s32 $0xFFFFF800  }
0x29: {  	[spmem:s2] =	stream.indirect.scatter.add.f32 [tilespmem:s14], [sflag:$0x1], $0x10, s15, s15, $0xb8;
	[tilespmem:$0x3780] =	vst v63  }
0x2a: {  	_ =	swait.ge [sflag:s13], $0x800  }
0x2b: {  	[sflag:s13] =	ssyncset.done $0x0  }
0x2c: {  	[sflag:s13] =	ssyncadd.s32 $0xFFFFF800  }
0x2d: {  	[spmem:s2] =	stream.indirect.scatter.add.f32 [tilespmem:s14], [sflag:$0x1], $0x10, s16, s15, $0xb8;
	[tilespmem:$0x3780] =	vst v63  }
0x2e: {  	_ =	swait.ge [sflag:s13], $0x800  }
0x2f: {  	[sflag:s13] =	ssyncset.done $0x0  }
0x30: {  	[sflag:s13] =	ssyncadd.s32 $0xFFFFF800  }
0x31: {  	[spmem:s2] =	stream.indirect.scatter.add.f32 [tilespmem:s14], [sflag:$0x1], $0x10, s17, s15, $0xb8;
	[tilespmem:$0x3780] =	vst v63  }
0x32: {  	_ =	swait.ge [sflag:s13], $0x800  }
0x33: {  	[sflag:s13] =	ssyncset.done $0x0  }
0x34: {  	[sflag:s13] =	ssyncadd.s32 $0xFFFFF800  }
0x35: {  	[spmem:s2] =	stream.indirect.scatter.add.f32 [tilespmem:s14], [sflag:$0x1], $0x10, s18, s15, $0xb8;
	[tilespmem:$0x3780] =	vst v63  }
0x36: {  	_ =	swait.ge [sflag:s13], $0x800  }
0x37: {  	[sflag:s13] =	ssyncset.done $0x0  }
0x38: {  	[sflag:s13] =	ssyncadd.s32 $0xFFFFF800  }
0x39: {  	[spmem:s2] =	stream.indirect.scatter.add.f32 [tilespmem:s14], [sflag:$0x1], $0x10, s19, s15, $0xb8;
	[tilespmem:$0x3780] =	vst v63  }
0x3a: {  	_ =	swait.ge [sflag:s13], $0x800  }
0x3b: {  	[sflag:s13] =	ssyncset.done $0x0  }
0x3c: {  	[sflag:s13] =	ssyncadd.s32 $0xFFFFF800  }
0x3d: {  	[spmem:s2] =	stream.indirect.scatter.add.f32 [tilespmem:s14], [sflag:$0x1], $0x10, s20, s15, $0xb8;
	[tilespmem:$0x3780] =	vst v63  }
0x3e: {  	_ =	swait.ge [sflag:s13], $0x800  }
0x3f: {  	[sflag:s13] =	ssyncset.done $0x0  }
0x40: {  	[sflag:s13] =	ssyncadd.s32 $0xFFFFF800  }
0x41: {  	[spmem:s2] =	stream.indirect.scatter.add.f32 [tilespmem:s14], [sflag:$0x1], $0x10, s21, s15, $0xb8;
	[tilespmem:$0x3780] =	vst v63  }
0x42: {  	_ =	swait.ge [sflag:s13], $0x800  }
0x43: {  	[sflag:s13] =	ssyncset.done $0x0  }
0x44: {  	[sflag:s13] =	ssyncadd.s32 $0xFFFFF800  }
0x45: {  	[spmem:s2] =	stream.indirect.scatter.add.f32 [tilespmem:s14], [sflag:$0x1], $0x10, s22, s15, $0xb8;
	[tilespmem:$0x3780] =	vst v63  }
0x46: {  	_ =	swait.ge [sflag:s13], $0x800  }
0x47: {  	[sflag:s13] =	ssyncset.done $0x0  }
0x48: {  	[sflag:s13] =	ssyncadd.s32 $0xFFFFF800  }
0x49: {  	[spmem:s2] =	stream.indirect.scatter.add.f32 [tilespmem:s14], [sflag:$0x1], $0x10, s23, s15, $0xb8;
	[tilespmem:$0x3780] =	vst v63  }
0x4a: {  	_ =	swait.ge [sflag:s13], $0x800  }
0x4b: {  	[sflag:s13] =	ssyncset.done $0x0  }
0x4c: {  	[sflag:s13] =	ssyncadd.s32 $0xFFFFF800  }
0x4d: {  	[spmem:s2] =	stream.indirect.scatter.add.f32 [tilespmem:s14], [sflag:$0x1], $0x10, s24, s15, $0xb8;
	[tilespmem:$0x3780] =	vst v63  }
0x4e: {  	_ =	swait.ge [sflag:s13], $0x800  }
0x4f: {  	[sflag:s13] =	ssyncset.done $0x0  }
0x50: {  	[sflag:s13] =	ssyncadd.s32 $0xFFFFF800  }
0x51: {  	[spmem:s2] =	stream.indirect.scatter.add.f32 [tilespmem:s14], [sflag:$0x1], $0x10, s26, s15, $0xb8;
	[tilespmem:$0x3780] =	vst v63  }
0x52: {  	_ =	swait.ge [sflag:s13], $0x800  }
0x53: {  	[sflag:s13] =	ssyncset.done $0x0  }
0x54: {  	[sflag:s13] =	ssyncadd.s32 $0xFFFFF800  }
0x55: {  	[spmem:s2] =	stream.indirect.scatter.add.f32 [tilespmem:s14], [sflag:$0x1], $0x10, s28, s15, $0xb8;
	[tilespmem:$0x3780] =	vst v63  }
0x56: {  	_ =	swait.ge [sflag:s13], $0x800  }
0x57: {  	[sflag:s13] =	ssyncset.done $0x0  }
0x58: {  	[sflag:s13] =	ssyncadd.s32 $0xFFFFF800  }
0x59: {  	[spmem:s2] =	stream.indirect.scatter.add.f32 [tilespmem:s14], [sflag:$0x1], $0x10, s29, s15, $0xb8;
	[tilespmem:$0x3780] =	vst v63  }
0x5a: {  	_ =	swait.ge [sflag:s13], $0x800  }
0x5b: {  	[sflag:s13] =	ssyncset.done $0x0  }
0x5c: {  	[sflag:s13] =	ssyncadd.s32 $0xFFFFF800  }
0x5d: {  	[spmem:s2] =	stream.indirect.scatter.add.f32 [tilespmem:s14], [sflag:$0x1], $0x10, s30, s15, $0xb8;
	[tilespmem:$0x3780] =	vst v63  }
0x5e: {  	_ =	swait.ge [sflag:s13], $0x800  }
0x5f: {  	[sflag:s13] =	ssyncset.done $0x0  }
0x60: {  	[sflag:s13] =	ssyncadd.s32 $0xFFFFF800  }
0x61: {  	[spmem:s2] =	stream.indirect.scatter.add.f32 [tilespmem:s14], [sflag:$0x1], $0x10, s31, s15, $0xb8;
	[tilespmem:$0x3780] =	vst v63  }
0x62: {  	_ =	swait.ge [sflag:s13], $0x800  }
0x63: {  	s4 =	simm.s32 $0x200;
	s1 =	simm.s32 $0x100;
	[sflag:s13] =	ssyncset.done $0x0  }
.LBB2_2:
0x64: {  	s8 =	sadd.s32 s1, s11  }
0x65: {  	[sflag:s13] =	ssyncadd.s32 $0xFFFFF800;
	s1 =	smov.u32 s4;
	s6 =	sadd.s32 $0x100, s4  }
0x66: {  	[tilespmem:s3], [sflag:$0x1] =	stream.linear.gather [hbm4b:s8+s3], $0x800, $0x38;
	[tilespmem:$0x3780] =	vst v63  }
0x67: {  	p1 =	sne.s32 s4, $0x400;
	_ =	swait.ge [sflag:s13], $0x800  }
0x68: {  	[sflag:s13] =	ssyncset.done $0x0  }
0x69: {  	[sflag:s13] =	ssyncadd.s32 $0xFFFFF800  }
0x6a: {  	[spmem:s2] =	stream.indirect.scatter.add.f32 [tilespmem:s14], [sflag:$0x1], $0x10, s3, s15, $0xb8;
	[tilespmem:$0x3780] =	vst v63  }
0x6b: {  	_ =	swait.ge [sflag:s13], $0x800  }
0x6c: {  	[sflag:s13] =	ssyncset.done $0x0  }
0x6d: {  	[sflag:s13] =	ssyncadd.s32 $0xFFFFF800  }
0x6e: {  	[spmem:s2] =	stream.indirect.scatter.add.f32 [tilespmem:s14], [sflag:$0x1], $0x10, s15, s15, $0xb8;
	[tilespmem:$0x3780] =	vst v63  }
0x6f: {  	_ =	swait.ge [sflag:s13], $0x800  }
0x70: {  	[sflag:s13] =	ssyncset.done $0x0  }
0x71: {  	[sflag:s13] =	ssyncadd.s32 $0xFFFFF800  }
0x72: {  	[spmem:s2] =	stream.indirect.scatter.add.f32 [tilespmem:s14], [sflag:$0x1], $0x10, s16, s15, $0xb8;
	[tilespmem:$0x3780] =	vst v63  }
0x73: {  	_ =	swait.ge [sflag:s13], $0x800  }
0x74: {  	[sflag:s13] =	ssyncset.done $0x0  }
0x75: {  	[sflag:s13] =	ssyncadd.s32 $0xFFFFF800  }
0x76: {  	[spmem:s2] =	stream.indirect.scatter.add.f32 [tilespmem:s14], [sflag:$0x1], $0x10, s17, s15, $0xb8;
	[tilespmem:$0x3780] =	vst v63  }
0x77: {  	_ =	swait.ge [sflag:s13], $0x800  }
0x78: {  	[sflag:s13] =	ssyncset.done $0x0  }
0x79: {  	[sflag:s13] =	ssyncadd.s32 $0xFFFFF800  }
0x7a: {  	[spmem:s2] =	stream.indirect.scatter.add.f32 [tilespmem:s14], [sflag:$0x1], $0x10, s18, s15, $0xb8;
	[tilespmem:$0x3780] =	vst v63  }
0x7b: {  	_ =	swait.ge [sflag:s13], $0x800  }
0x7c: {  	[sflag:s13] =	ssyncset.done $0x0  }
0x7d: {  	[sflag:s13] =	ssyncadd.s32 $0xFFFFF800  }
0x7e: {  	[spmem:s2] =	stream.indirect.scatter.add.f32 [tilespmem:s14], [sflag:$0x1], $0x10, s19, s15, $0xb8;
	[tilespmem:$0x3780] =	vst v63  }
0x7f: {  	_ =	swait.ge [sflag:s13], $0x800  }
0x80: {  	[sflag:s13] =	ssyncset.done $0x0  }
0x81: {  	[sflag:s13] =	ssyncadd.s32 $0xFFFFF800  }
0x82: {  	[spmem:s2] =	stream.indirect.scatter.add.f32 [tilespmem:s14], [sflag:$0x1], $0x10, s20, s15, $0xb8;
	[tilespmem:$0x3780] =	vst v63  }
0x83: {  	_ =	swait.ge [sflag:s13], $0x800  }
0x84: {  	[sflag:s13] =	ssyncset.done $0x0  }
0x85: {  	[sflag:s13] =	ssyncadd.s32 $0xFFFFF800  }
0x86: {  	[spmem:s2] =	stream.indirect.scatter.add.f32 [tilespmem:s14], [sflag:$0x1], $0x10, s21, s15, $0xb8;
	[tilespmem:$0x3780] =	vst v63  }
0x87: {  	_ =	swait.ge [sflag:s13], $0x800  }
0x88: {  	[sflag:s13] =	ssyncset.done $0x0  }
0x89: {  	[sflag:s13] =	ssyncadd.s32 $0xFFFFF800  }
0x8a: {  	[spmem:s2] =	stream.indirect.scatter.add.f32 [tilespmem:s14], [sflag:$0x1], $0x10, s22, s15, $0xb8;
	[tilespmem:$0x3780] =	vst v63  }
0x8b: {  	_ =	swait.ge [sflag:s13], $0x800  }
0x8c: {  	[sflag:s13] =	ssyncset.done $0x0  }
0x8d: {  	[sflag:s13] =	ssyncadd.s32 $0xFFFFF800  }
0x8e: {  	[spmem:s2] =	stream.indirect.scatter.add.f32 [tilespmem:s14], [sflag:$0x1], $0x10, s23, s15, $0xb8;
	[tilespmem:$0x3780] =	vst v63  }
0x8f: {  	_ =	swait.ge [sflag:s13], $0x800  }
0x90: {  	[sflag:s13] =	ssyncset.done $0x0  }
0x91: {  	[sflag:s13] =	ssyncadd.s32 $0xFFFFF800  }
0x92: {  	[spmem:s2] =	stream.indirect.scatter.add.f32 [tilespmem:s14], [sflag:$0x1], $0x10, s24, s15, $0xb8;
	[tilespmem:$0x3780] =	vst v63  }
0x93: {  	_ =	swait.ge [sflag:s13], $0x800  }
0x94: {  	[sflag:s13] =	ssyncset.done $0x0  }
0x95: {  	[sflag:s13] =	ssyncadd.s32 $0xFFFFF800  }
0x96: {  	[spmem:s2] =	stream.indirect.scatter.add.f32 [tilespmem:s14], [sflag:$0x1], $0x10, s26, s15, $0xb8;
	[tilespmem:$0x3780] =	vst v63  }
0x97: {  	_ =	swait.ge [sflag:s13], $0x800  }
0x98: {  	[sflag:s13] =	ssyncset.done $0x0  }
0x99: {  	[sflag:s13] =	ssyncadd.s32 $0xFFFFF800  }
0x9a: {  	[spmem:s2] =	stream.indirect.scatter.add.f32 [tilespmem:s14], [sflag:$0x1], $0x10, s28, s15, $0xb8;
	[tilespmem:$0x3780] =	vst v63  }
0x9b: {  	_ =	swait.ge [sflag:s13], $0x800  }
0x9c: {  	[sflag:s13] =	ssyncset.done $0x0  }
0x9d: {  	[sflag:s13] =	ssyncadd.s32 $0xFFFFF800  }
0x9e: {  	[spmem:s2] =	stream.indirect.scatter.add.f32 [tilespmem:s14], [sflag:$0x1], $0x10, s29, s15, $0xb8;
	[tilespmem:$0x3780] =	vst v63  }
0x9f: {  	_ =	swait.ge [sflag:s13], $0x800  }
0xa0: {  	[sflag:s13] =	ssyncset.done $0x0  }
0xa1: {  	[sflag:s13] =	ssyncadd.s32 $0xFFFFF800  }
0xa2: {  	[spmem:s2] =	stream.indirect.scatter.add.f32 [tilespmem:s14], [sflag:$0x1], $0x10, s30, s15, $0xb8;
	[tilespmem:$0x3780] =	vst v63  }
0xa3: {  	_ =	swait.ge [sflag:s13], $0x800  }
.Ltmp0:
0xa4: {  	[sflag:s13] =	ssyncset.done $0x0;
	(pc) =	sbr.rel @p1 .LBB2_2-.Ltmp0, $4  }
0xa5: {  	[sflag:s13] =	ssyncadd.s32 $0xFFFFF800  }
0xa6: {  	[spmem:s2] =	stream.indirect.scatter.add.f32 [tilespmem:s14], [sflag:$0x1], $0x10, s31, s15, $0xb8;
	[tilespmem:$0x3780] =	vst v63  }
0xa7: {  	_ =	swait.ge [sflag:s13], $0x800  }
0xa8: {  	s4 =	smov.u32 s6;
	[sflag:s13] =	ssyncset.done $0x0  }
0xa9: {  	s1 =	sadd.s32 s1, s11;
	[sflag:s13] =	ssyncadd.s32 $0xFFFFF800  }
0xaa: {  	[tilespmem:s3], [sflag:$0x1] =	stream.linear.gather [hbm4b:s1+s3], $0x800, $0x38;
	[tilespmem:$0x3780] =	vst v63  }
0xab: {  	_ =	swait.ge [sflag:s13], $0x800  }
0xac: {  	[sflag:s13] =	ssyncset.done $0x0  }
0xad: {  	[sflag:s13] =	ssyncadd.s32 $0xFFFFF800  }
0xae: {  	[spmem:s2] =	stream.indirect.scatter.add.f32 [tilespmem:s14], [sflag:$0x1], $0x10, s3, s15, $0xb8;
	[tilespmem:$0x3780] =	vst v63  }
0xaf: {  	_ =	swait.ge [sflag:s13], $0x800  }
0xb0: {  	[sflag:s13] =	ssyncset.done $0x0  }
0xb1: {  	[sflag:s13] =	ssyncadd.s32 $0xFFFFF800  }
0xb2: {  	[spmem:s2] =	stream.indirect.scatter.add.f32 [tilespmem:s14], [sflag:$0x1], $0x10, s15, s15, $0xb8;
	[tilespmem:$0x3780] =	vst v63  }
0xb3: {  	_ =	swait.ge [sflag:s13], $0x800  }
0xb4: {  	[sflag:s13] =	ssyncset.done $0x0  }
0xb5: {  	[sflag:s13] =	ssyncadd.s32 $0xFFFFF800  }
0xb6: {  	[spmem:s2] =	stream.indirect.scatter.add.f32 [tilespmem:s14], [sflag:$0x1], $0x10, s16, s15, $0xb8;
	[tilespmem:$0x3780] =	vst v63  }
0xb7: {  	_ =	swait.ge [sflag:s13], $0x800  }
0xb8: {  	[sflag:s13] =	ssyncset.done $0x0  }
0xb9: {  	[sflag:s13] =	ssyncadd.s32 $0xFFFFF800  }
0xba: {  	[spmem:s2] =	stream.indirect.scatter.add.f32 [tilespmem:s14], [sflag:$0x1], $0x10, s17, s15, $0xb8;
	[tilespmem:$0x3780] =	vst v63  }
0xbb: {  	_ =	swait.ge [sflag:s13], $0x800  }
0xbc: {  	[sflag:s13] =	ssyncset.done $0x0  }
0xbd: {  	[sflag:s13] =	ssyncadd.s32 $0xFFFFF800  }
0xbe: {  	[spmem:s2] =	stream.indirect.scatter.add.f32 [tilespmem:s14], [sflag:$0x1], $0x10, s18, s15, $0xb8;
	[tilespmem:$0x3780] =	vst v63  }
0xbf: {  	_ =	swait.ge [sflag:s13], $0x800  }
0xc0: {  	[sflag:s13] =	ssyncset.done $0x0  }
0xc1: {  	[sflag:s13] =	ssyncadd.s32 $0xFFFFF800  }
0xc2: {  	[spmem:s2] =	stream.indirect.scatter.add.f32 [tilespmem:s14], [sflag:$0x1], $0x10, s19, s15, $0xb8;
	[tilespmem:$0x3780] =	vst v63  }
0xc3: {  	_ =	swait.ge [sflag:s13], $0x800  }
0xc4: {  	[sflag:s13] =	ssyncset.done $0x0  }
0xc5: {  	[sflag:s13] =	ssyncadd.s32 $0xFFFFF800  }
0xc6: {  	[spmem:s2] =	stream.indirect.scatter.add.f32 [tilespmem:s14], [sflag:$0x1], $0x10, s20, s15, $0xb8;
	[tilespmem:$0x3780] =	vst v63  }
0xc7: {  	_ =	swait.ge [sflag:s13], $0x800  }
0xc8: {  	[sflag:s13] =	ssyncset.done $0x0  }
0xc9: {  	[sflag:s13] =	ssyncadd.s32 $0xFFFFF800  }
0xca: {  	[spmem:s2] =	stream.indirect.scatter.add.f32 [tilespmem:s14], [sflag:$0x1], $0x10, s21, s15, $0xb8;
	[tilespmem:$0x3780] =	vst v63  }
0xcb: {  	_ =	swait.ge [sflag:s13], $0x800  }
0xcc: {  	[sflag:s13] =	ssyncset.done $0x0  }
0xcd: {  	[sflag:s13] =	ssyncadd.s32 $0xFFFFF800  }
0xce: {  	[spmem:s2] =	stream.indirect.scatter.add.f32 [tilespmem:s14], [sflag:$0x1], $0x10, s22, s15, $0xb8;
	[tilespmem:$0x3780] =	vst v63  }
0xcf: {  	_ =	swait.ge [sflag:s13], $0x800  }
0xd0: {  	[sflag:s13] =	ssyncset.done $0x0  }
0xd1: {  	[sflag:s13] =	ssyncadd.s32 $0xFFFFF800  }
0xd2: {  	[spmem:s2] =	stream.indirect.scatter.add.f32 [tilespmem:s14], [sflag:$0x1], $0x10, s23, s15, $0xb8;
	[tilespmem:$0x3780] =	vst v63  }
0xd3: {  	_ =	swait.ge [sflag:s13], $0x800  }
0xd4: {  	[sflag:s13] =	ssyncset.done $0x0  }
0xd5: {  	[sflag:s13] =	ssyncadd.s32 $0xFFFFF800  }
0xd6: {  	[spmem:s2] =	stream.indirect.scatter.add.f32 [tilespmem:s14], [sflag:$0x1], $0x10, s24, s15, $0xb8;
	[tilespmem:$0x3780] =	vst v63  }
0xd7: {  	_ =	swait.ge [sflag:s13], $0x800  }
0xd8: {  	[sflag:s13] =	ssyncset.done $0x0  }
0xd9: {  	[sflag:s13] =	ssyncadd.s32 $0xFFFFF800  }
0xda: {  	[spmem:s2] =	stream.indirect.scatter.add.f32 [tilespmem:s14], [sflag:$0x1], $0x10, s26, s15, $0xb8;
	[tilespmem:$0x3780] =	vst v63  }
0xdb: {  	_ =	swait.ge [sflag:s13], $0x800  }
0xdc: {  	[sflag:s13] =	ssyncset.done $0x0  }
0xdd: {  	[sflag:s13] =	ssyncadd.s32 $0xFFFFF800  }
0xde: {  	[spmem:s2] =	stream.indirect.scatter.add.f32 [tilespmem:s14], [sflag:$0x1], $0x10, s28, s15, $0xb8;
	[tilespmem:$0x3780] =	vst v63  }
0xdf: {  	_ =	swait.ge [sflag:s13], $0x800  }
0xe0: {  	[sflag:s13] =	ssyncset.done $0x0  }
0xe1: {  	[sflag:s13] =	ssyncadd.s32 $0xFFFFF800  }
0xe2: {  	[spmem:s2] =	stream.indirect.scatter.add.f32 [tilespmem:s14], [sflag:$0x1], $0x10, s29, s15, $0xb8;
	[tilespmem:$0x3780] =	vst v63  }
0xe3: {  	_ =	swait.ge [sflag:s13], $0x800  }
0xe4: {  	[sflag:s13] =	ssyncset.done $0x0  }
0xe5: {  	[sflag:s13] =	ssyncadd.s32 $0xFFFFF800  }
0xe6: {  	[spmem:s2] =	stream.indirect.scatter.add.f32 [tilespmem:s14], [sflag:$0x1], $0x10, s30, s15, $0xb8;
	[tilespmem:$0x3780] =	vst v63  }
0xe7: {  	_ =	swait.ge [sflag:s13], $0x800  }
0xe8: {  	[sflag:s13] =	ssyncset.done $0x0  }
0xe9: {  	[sflag:s13] =	ssyncadd.s32 $0xFFFFF800  }
0xea: {  	[spmem:s2] =	stream.indirect.scatter.add.f32 [tilespmem:s14], [sflag:$0x1], $0x10, s31, s15, $0xb8;
	[tilespmem:$0x3780] =	vst v63  }
0xeb: {  	_ =	swait.ge [sflag:s13], $0x800  }
0xec: {  	[sflag:s13] =	ssyncset.done $0x0  }
0xed: {  	[sflag:s13] =	ssyncadd.s32 $0xFFFFF800  }
0xee: {  	s1 =	sshrl.u32 @p0 s5, $0x3;
	[bflag:$0x0] =	sbarrier.arrive $0xFFFF  }
0xef: {  	[hbm:s9], [sflag:s7] =	dma.local @p0 [spmem:s1], $0x4F0  }
0xf0: {  	s1 =	simm.s32 @p0 $0x1  }
0xf1: {  	_ =	swait.ge @p0 [sflag:s1], $0x4F0  }
0xf2: {  	s0 =	sadd.s32 $0x1, s0;
	[sflag:s1] =	ssyncset.done @p0 $0x0  }
0xf3: {  	p1 =	sne.s32 s0, s10;
	[sflag:s1] =	ssyncadd.s32 @p0 $0xFFFFFB10;
	s1 =	rddreg [dreg:$0x6]  }
0xf4: {  	[hbm:s1], [sflag:s7] =	dma.local @!p0 [spmem:s25], $0x410  }
.Ltmp1:
0xf5: {  	_ = 	snop;
	(pc) =	sbr.rel @p1 .LBB2_1-.Ltmp1, $4  }
0xf6: {  	s1 =	simm.s32 @!p0 $0x1  }
0xf7: {  	_ =	swait.ge @!p0 [sflag:s1], $0x410  }
0xf8: {  	[sflag:s1] =	ssyncset.done @!p0 $0x0  }
0xf9: {  	[sflag:s1] =	ssyncadd.s32 @!p0 $0xFFFFFBF0  }
0xfa: {  	_ =	sfence.sel $0x180000  }
0xfb: {  	[bflag:$0x0] =	sbarrier.arrive $0xFFFF  }
0xfc: {  	_ =	strace $0x90000047  }
0xfd: {  	s0 =	stileid.u32;
	[bflag:$0x2] =	sbarrier.arrive $0xFFFF  }
0xfe: {  	p0 =	sne.s32 s0, $0x0;
	s0 =	rddreg [dreg:$0x3]  }
0xff: {  	s0 =	sadd.s32 @!p0 $0x100000, s0  }
0x100: {  	[sflag:s0] =	ssyncadd.tile.s32 @!p0 $0x1;
	_ =	shalt  }
.Lfunc_end2:
_tile_overlayer_lowered:
.L_overlay_start_2:
0x101: {  	(tag) =	ssettag $0x2  }
0x102: {  	s0 =	rddreg [dreg:$0x0];
	s2 =	stileid.u32  }
0x103: {  	s1 =	rddreg [dreg:$0x1];
	p0 =	sne.s32 s2, $0x0  }
0x104: {  	s3 =	rddreg [dreg:$0x2];
	[bflag:$0x3] =	sbarrier.arrive $0xFFFF;
	s2 =	simm.s32 @!p0 $0x1C01  }
0x105: {  	[timem:s3], [sflag:s2] =	dma.local @!p0 [hbm:s0], s1  }
0x106: {  	s0 =	simm.s32 @!p0 $0x1  }
0x107: {  	_ =	swait.ge @!p0 [sflag:s0], s1  }
0x108: {  	s1 =	ssub.s32 @!p0 $0x0, s1;
	[sflag:s0] =	ssyncset.done @!p0 $0x0  }
0x109: {  	[sflag:s0] =	ssyncadd.s32 @!p0 s1  }
0x10a: {  	[bflag:$0x3] =	sbarrier.arrive $0xFFFF  }
0x10b: {  	_ =	shalt  }

</sc_bundles>
